<compile_context>
chip_gen: v7x
topology: tpu7x:2x2x1
jax: 0.10.2.dev20260603
libtpu: 0.0.44.dev20260713+nightly
codegen_flags: <defaults>
</compile_context>

<pallas_src>
import functools

import jax
import jax.numpy as jnp
from jax import lax
from jax.experimental import pallas as pl
from jax.experimental.pallas import tpu as pltpu
from jax.experimental.pallas import tpu_sc as plsc

B, C, H, W = 4, 384, 14, 14
IMG = 224
SCALE = IMG // H
P = 50
N = 50
ALPHA = 0.7
K = C // 2
HW = H * W

NC = 2
NS = 16
CPT = C // 8
NKP = P + N
FM_PAD = 256


def _sc_body(x_hbm, kpp_hbm, kpn_hbm, outx_hbm, fm_hbm,
             xloc, kpp, kpn, pix_ref, wv_ref, scv, sc_all, keep_ref,
             fmloc, fm8, shared_sc, shared_fm, dma_sem):
    core = lax.axis_index("c")
    sub = lax.axis_index("s")
    b_local = sub // 8
    chunk = sub % 8
    b = core * 2 + b_local
    base_row = b * C + chunk * CPT

    x_in = pltpu.async_copy(x_hbm.at[pl.ds(base_row, CPT)], xloc, dma_sem)
    pltpu.sync_copy(kpp_hbm.at[b], kpp)
    pltpu.sync_copy(kpn_hbm.at[b], kpn)

    iota = lax.iota(jnp.int32, 16)
    zf = jnp.zeros((16,), jnp.float32)
    zi = jnp.zeros((16,), jnp.int32)

    wpos = jnp.full((16,), ALPHA, jnp.float32)
    wneg = jnp.full((16,), ALPHA - 1.0, jnp.float32)
    for t in range(7):
        slot = iota + t * 16
        if t < 3:
            eidx = 2 * slot
            r = plsc.load_gather(kpp, [eidx])
            cc = plsc.load_gather(kpp, [eidx + 1])
            wv = wpos
        elif t == 3:
            ep = jnp.minimum(2 * slot, 2 * P - 2)
            en = jnp.clip(2 * (slot - P), 0, 2 * N - 2)
            r = jnp.where(slot < P,
                          plsc.load_gather(kpp, [ep]),
                          plsc.load_gather(kpn, [en]))
            cc = jnp.where(slot < P,
                           plsc.load_gather(kpp, [ep + 1]),
                           plsc.load_gather(kpn, [en + 1]))
            wv = jnp.where(slot < P, wpos, wneg)
        else:
            en = jnp.minimum(2 * (slot - P), 2 * N - 2)
            r = plsc.load_gather(kpn, [en])
            cc = plsc.load_gather(kpn, [en + 1])
            wv = jnp.where(slot < NKP, wneg, zf)
        pixv = (r // SCALE) * W + cc // SCALE
        pix_ref[pl.ds(t * 16, 16)] = pixv
        wv_ref[pl.ds(t * 16, 16)] = wv

    x_in.wait()

    rows = [iota + 16 * i for i in range(3)]

    def score_body(k, carry):
        kk = jnp.full((16,), k, jnp.int32)
        pv = plsc.load_gather(pix_ref, [kk])
        wk = plsc.load_gather(wv_ref, [kk])
        return tuple(
            s + wk * plsc.load_gather(xloc, [rows[i], pv])
            for i, s in enumerate(carry)
        )

    s0, s1, s2 = lax.fori_loop(0, NKP, score_body, (zf, zf, zf))
    scv[pl.ds(0, 16)] = s0
    scv[pl.ds(16, 16)] = s1
    scv[pl.ds(32, 16)] = s2
    pltpu.sync_copy(scv, shared_sc.at[pl.ds(b_local * C + chunk * CPT, CPT)])
    plsc.subcore_barrier()
    pltpu.sync_copy(shared_sc.at[pl.ds(b_local * C, C)], sc_all)

    myscores = (s0, s1, s2)
    cids = [iota + chunk * CPT + 16 * i for i in range(3)]

    def rank_body(j, carry):
        jj = jnp.full((16,), j, jnp.int32)
        sj = plsc.load_gather(sc_all, [jj])
        return tuple(
            r + jnp.where(sj == si, jj < ci, sj < si).astype(jnp.int32)
            for r, si, ci in zip(carry, myscores, cids)
        )

    ranks = lax.fori_loop(0, C, rank_body, (zi, zi, zi))

    for i, r in enumerate(ranks):
        keep_ref[pl.ds(16 * i, 16)] = jnp.where(r >= K, 1.0, 0.0).astype(
            jnp.float32)

    def mask_body(c_loc, _):
        ks = plsc.load_gather(keep_ref, [jnp.full((16,), c_loc, jnp.int32)])
        for v in range(13):
            off = 180 if v == 12 else v * 16
            xloc[c_loc, pl.ds(off, 16)] = xloc[c_loc, pl.ds(off, 16)] * ks
        return 0

    lax.fori_loop(0, CPT, mask_body, 0)
    x_out = pltpu.async_copy(xloc, outx_hbm.at[pl.ds(base_row, CPT)], dma_sem)

    for v in range(FM_PAD // 16):
        fmloc[pl.ds(v * 16, 16)] = zi
    for r, ci in zip(ranks, cids):
        plsc.store_scatter(fmloc, [jnp.minimum(r, FM_PAD - 16)], ci + 1,
                           mask=r < K)
    pltpu.sync_copy(
        fmloc, shared_fm.at[pl.ds((b_local * 8 + chunk) * FM_PAD, FM_PAD)])
    plsc.subcore_barrier()

    @pl.when(chunk == 0)
    def _():
        pltpu.sync_copy(
            shared_fm.at[pl.ds(b_local * 8 * FM_PAD, 8 * FM_PAD)], fm8)
        for v in range(12):
            acc = fm8[pl.ds(v * 16, 16)]
            for t in range(1, 8):
                acc = acc + fm8[pl.ds(t * FM_PAD + v * 16, 16)]
            fmloc[pl.ds(v * 16, 16)] = acc - 1
        pltpu.sync_copy(fmloc, fm_hbm.at[b])

    x_out.wait()


@jax.jit
def kernel(x, pos_keypoints, keypoints):
    x2d = x.reshape(B * C, HW)
    kpp = pos_keypoints.reshape(B, 2 * P)
    kpn = keypoints.reshape(B, 2 * N)

    mesh = plsc.VectorSubcoreMesh(
        core_axis_name="c", subcore_axis_name="s",
        num_cores=NC, num_subcores=NS)
    run = functools.partial(
        pl.kernel,
        out_type=(
            jax.ShapeDtypeStruct((B * C, HW), jnp.float32),
            jax.ShapeDtypeStruct((B, FM_PAD), jnp.int32),
        ),
        mesh=mesh,
        compiler_params=pltpu.CompilerParams(needs_layout_passes=False),
        scratch_types=[
            pltpu.VMEM((CPT, HW), jnp.float32),
            pltpu.VMEM((2 * P,), jnp.int32),
            pltpu.VMEM((2 * N,), jnp.int32),
            pltpu.VMEM((112,), jnp.int32),
            pltpu.VMEM((112,), jnp.float32),
            pltpu.VMEM((CPT,), jnp.float32),
            pltpu.VMEM((C,), jnp.float32),
            pltpu.VMEM((CPT,), jnp.float32),
            pltpu.VMEM((FM_PAD,), jnp.int32),
            pltpu.VMEM((8 * FM_PAD,), jnp.int32),
            pltpu.VMEM_SHARED((2 * C,), jnp.float32),
            pltpu.VMEM_SHARED((2 * 8 * FM_PAD,), jnp.int32),
            pltpu.SemaphoreType.DMA,
        ],
    )(_sc_body)
    out2d, fm = run(x2d, kpp, kpn)
    return out2d.reshape(B, C, H, W), fm[:, :K]

# --- scband reference (transcript-rebuilt; emitter-appended) ---
"""Pipeline reference for scband-ttactivation-62105227100465 (READ-ONLY COPY).

The authoritative reference and input builder live on the scoring server;
editing this copy changes nothing except your own understanding.
"""

import jax, jax.numpy as jnp
import numpy as np

B, C, H, W = 4, 384, 14, 14
IMG = 224
AMT_POS = 50
AMT_NEG = 50
ALPHA = 0.7
PERC_FEATURE_MASK = 0.5


def setup_inputs(seed: int = 0) -> dict:
    key = jax.random.key(seed)
    k1, k2, k3 = jax.random.split(key, 3)
    x = jax.random.normal(k1, (B, C, H, W), dtype=jnp.float32)
    pos_keypoints = jax.random.randint(k2, (B, AMT_POS, 2), 0, IMG).astype(jnp.int32)
    keypoints = jax.random.randint(k3, (B, AMT_NEG, 2), 0, IMG).astype(jnp.int32)
    return {"x": x, "pos_keypoints": pos_keypoints, "keypoints": keypoints}


def reference(x, pos_keypoints, keypoints):
    # fun_extract modeled as identity: x is the activation map [B, C, h, w].
    # mode_up == 'nearest': nearest-neighbor upsample to img_size x img_size.
    scale = IMG // x.shape[2]
    up = jnp.repeat(jnp.repeat(x, scale, axis=2), scale, axis=3)  # [B, C, IMG, IMG]
    b, c = up.shape[0], up.shape[1]
    flat = up.reshape(b, c, -1)  # [B, C, IMG*IMG]

    # positive keypoint gather: index = r*IMG + col, gathered per channel
    idx_p = pos_keypoints[..., 0] * up.shape[-1] + pos_keypoints[..., 1]  # [B, P]
    idx_p = jnp.broadcast_to(idx_p[:, None, :], (b, c, AMT_POS))
    pos_sum = jnp.take_along_axis(flat, idx_p, axis=2)  # [B, C, P]

    # negative keypoint gather
    idx_n = keypoints[..., 0] * up.shape[-1] + keypoints[..., 1]  # [B, N]
    idx_n = jnp.broadcast_to(idx_n[:, None, :], (b, c, AMT_NEG))
    neg_sum = -1.0 * jnp.take_along_axis(flat, idx_n, axis=2)  # [B, C, N]

    pos_sum = pos_sum * ALPHA
    neg_sum = neg_sum * (1.0 - ALPHA)
    stack = jnp.concatenate((pos_sum, neg_sum), axis=-1)  # [B, C, P+N]
    both = jnp.sum(stack, axis=2)  # [B, C]

    # argsort channels ascending, keep first (1-perc)*C as masked channels
    sort = jnp.argsort(both, axis=1)
    k = int((1.0 - PERC_FEATURE_MASK) * c)
    feature_masks = sort[:, :k]  # [B, k]

    # fun_masked modeled as zeroing the selected channels (scatter-overwrite)
    mask = jnp.ones((b, c), dtype=x.dtype)
    batch_idx = jnp.arange(b)[:, None]
    mask = mask.at[batch_idx, feature_masks].set(0.0)
    out = x * mask[:, :, None, None]  # [B, C, h, w]
    return out, feature_masks

if __name__ == "__main__":
    import jax
    _d = setup_inputs()
    print(jax.jit(kernel)(*tuple(_d.values())))

</pallas_src>

<mosaic_0001>
#map = affine_map<(d0, d1) -> (0, 0)>
module attributes {stable_mosaic.version = 14 : i64} {
  func.func @_sc_body(%arg0: i32, %arg1: i32, %arg2: memref<1536x196xf32, #tpu.memory_space<hbm>>, %arg3: memref<4x100xi32, #tpu.memory_space<hbm>>, %arg4: memref<4x100xi32, #tpu.memory_space<hbm>>, %arg5: memref<1536x196xf32, #tpu.memory_space<hbm>>, %arg6: memref<4x256xi32, #tpu.memory_space<hbm>>, %arg7: memref<48x196xf32, #tpu.memory_space<vmem>>, %arg8: memref<100xi32, #tpu.memory_space<vmem>>, %arg9: memref<100xi32, #tpu.memory_space<vmem>>, %arg10: memref<112xi32, #tpu.memory_space<vmem>>, %arg11: memref<112xf32, #tpu.memory_space<vmem>>, %arg12: memref<48xf32, #tpu.memory_space<vmem>>, %arg13: memref<384xf32, #tpu.memory_space<vmem>>, %arg14: memref<48xf32, #tpu.memory_space<vmem>>, %arg15: memref<256xi32, #tpu.memory_space<vmem>>, %arg16: memref<2048xi32, #tpu.memory_space<vmem>>, %arg17: memref<768xf32, #tpu.memory_space<vmem_shared>>, %arg18: memref<4096xi32, #tpu.memory_space<vmem_shared>>, %arg19: memref<!tpu.dma_semaphore, #tpu.memory_space<semaphore_mem>>) attributes {dimension_semantics = [#tpu.dimension_semantics<core_parallel>, #tpu.dimension_semantics<subcore_parallel>], iteration_bounds = array<i64: 2, 16>, scalar_prefetch = 0 : i64, scratch_operands = 13 : i64, tpu.core_type = #tpu.core_type<sc_vector_subcore>, window_params = [{transform_indices = #map}, {transform_indices = #map}, {transform_indices = #map}, {transform_indices = #map}, {transform_indices = #map}]} {
    %jit3A = arith.constant 8 : i32
    %div3A = arith.divsi %arg1, %jit3A : i32
    %sign3A = arith.constant 0 : i32
    %sign3A_0 = arith.cmpi sgt, %arg1, %sign3A : i32
    %sign3A_1 = arith.extui %sign3A_0 : i1 to i32
    %sign3A_2 = arith.constant 0 : i32
    %sign3A_3 = arith.cmpi slt, %arg1, %sign3A_2 : i32
    %sign3A_4 = arith.extui %sign3A_3 : i1 to i32
    %sign3A_5 = arith.subi %sign3A_1, %sign3A_4 : i32
    %sign3A_6 = arith.constant 0 : i32
    %sign3A_7 = arith.cmpi sgt, %jit3A, %sign3A_6 : i32
    %sign3A_8 = arith.extui %sign3A_7 : i1 to i32
    %sign3A_9 = arith.constant 0 : i32
    %sign3A_10 = arith.cmpi slt, %jit3A, %sign3A_9 : i32
    %sign3A_11 = arith.extui %sign3A_10 : i1 to i32
    %sign3A_12 = arith.subi %sign3A_8, %sign3A_11 : i32
    %ne3A = arith.cmpi ne, %sign3A_5, %sign3A_12 : i32
    %rem3A = arith.remsi %arg1, %jit3A : i32
    %ne3A_13 = arith.constant 0 : i32
    %ne3A_14 = arith.cmpi ne, %rem3A, %ne3A_13 : i32
    %and3A = arith.andi %ne3A, %ne3A_14 : i1
    %sub3A = arith.constant 1 : i32
    %sub3A_15 = arith.subi %div3A, %sub3A : i32
    %select_n3A = arith.select %and3A, %sub3A_15, %div3A : i32
    %jit3A_16 = arith.constant 8 : i32
    %eq3A = arith.constant 0 : i32
    %eq3A_17 = arith.cmpi eq, %jit3A_16, %eq3A : i32
    %jit3A_18 = arith.constant 1 : i32
    %select_n3A_19 = arith.select %eq3A_17, %jit3A_18, %jit3A_16 : i32
    %rem3A_20 = arith.remsi %arg1, %select_n3A_19 : i32
    %ne3A_21 = arith.constant 0 : i32
    %ne3A_22 = arith.cmpi ne, %rem3A_20, %ne3A_21 : i32
    %lt3A = arith.constant 0 : i32
    %lt3A_23 = arith.cmpi slt, %rem3A_20, %lt3A : i32
    %lt3A_24 = arith.constant 0 : i32
    %lt3A_25 = arith.cmpi slt, %select_n3A_19, %lt3A_24 : i32
    %ne3A_26 = arith.xori %lt3A_23, %lt3A_25 : i1
    %and3A_27 = arith.andi %ne3A_26, %ne3A_22 : i1
    %add3A = arith.addi %rem3A_20, %select_n3A_19 : i32
    %select_n3A_28 = arith.select %and3A_27, %add3A, %rem3A_20 : i32
    %mul3A = arith.constant 2 : i32
    %mul3A_29 = arith.muli %arg0, %mul3A : i32
    %add3A_30 = arith.addi %mul3A_29, %select_n3A : i32
    %mul3A_31 = arith.constant 384 : i32
    %mul3A_32 = arith.muli %add3A_30, %mul3A_31 : i32
    %mul3A_33 = arith.constant 48 : i32
    %mul3A_34 = arith.muli %select_n3A_28, %mul3A_33 : i32
    %add3A_35 = arith.addi %mul3A_32, %mul3A_34 : i32
    %dma_start3A = arith.constant 0 : i32
    %dma_start3A_36 = tpu.memref_slice %arg2[%add3A_35, %dma_start3A] : memref<1536x196xf32, #tpu.memory_space<hbm>> -> memref<48x196xf32, #tpu.memory_space<hbm>>
    %dma_start3A_37 = arith.constant 0 : i32
    %dma_start3A_38 = tpu.memref_slice %arg2[%add3A_35, %dma_start3A_37] : memref<1536x196xf32, #tpu.memory_space<hbm>> -> memref<48x196xf32, #tpu.memory_space<hbm>>
    tpu.enqueue_dma source(%dma_start3A_38 : memref<48x196xf32, #tpu.memory_space<hbm>>) target(%arg7 : memref<48x196xf32, #tpu.memory_space<vmem>>) target_semaphore(%arg19 : memref<!tpu.dma_semaphore, #tpu.memory_space<semaphore_mem>>)
    "tpu.region"() ({
      %run_scoped3A = tpu.sem_alloc : memref<!tpu.dma_semaphore, #tpu.memory_space<semaphore_mem>>
      %dma_start3A_840 = arith.constant 0 : i32
      %dma_start3A_841 = tpu.memref_slice %arg3[%add3A_30, %dma_start3A_840] : memref<4x100xi32, #tpu.memory_space<hbm>> -> memref<1x100xi32, #tpu.memory_space<hbm>>
      %dma_start3A_842 = tpu.memref_squeeze %dma_start3A_841 : memref<1x100xi32, #tpu.memory_space<hbm>> -> memref<100xi32, #tpu.memory_space<hbm>>
      %dma_start3A_843 = arith.constant 0 : i32
      %dma_start3A_844 = tpu.memref_slice %arg3[%add3A_30, %dma_start3A_843] : memref<4x100xi32, #tpu.memory_space<hbm>> -> memref<1x100xi32, #tpu.memory_space<hbm>>
      %dma_start3A_845 = tpu.memref_squeeze %dma_start3A_844 : memref<1x100xi32, #tpu.memory_space<hbm>> -> memref<100xi32, #tpu.memory_space<hbm>>
      tpu.enqueue_dma source(%dma_start3A_845 : memref<100xi32, #tpu.memory_space<hbm>>) target(%arg8 : memref<100xi32, #tpu.memory_space<vmem>>) target_semaphore(%run_scoped3A : memref<!tpu.dma_semaphore, #tpu.memory_space<semaphore_mem>>)
      %dma_wait3A_846 = arith.constant 0 : i32
      %dma_wait3A_847 = tpu.memref_slice %arg3[%add3A_30, %dma_wait3A_846] : memref<4x100xi32, #tpu.memory_space<hbm>> -> memref<1x100xi32, #tpu.memory_space<hbm>>
      %dma_wait3A_848 = tpu.memref_squeeze %dma_wait3A_847 : memref<1x100xi32, #tpu.memory_space<hbm>> -> memref<100xi32, #tpu.memory_space<hbm>>
      %dma_wait3A_849 = arith.constant 0 : i32
      %dma_wait3A_850 = tpu.memref_slice %arg3[%add3A_30, %dma_wait3A_849] : memref<4x100xi32, #tpu.memory_space<hbm>> -> memref<1x100xi32, #tpu.memory_space<hbm>>
      %dma_wait3A_851 = tpu.memref_squeeze %dma_wait3A_850 : memref<1x100xi32, #tpu.memory_space<hbm>> -> memref<100xi32, #tpu.memory_space<hbm>>
      tpu.wait_dma2 semaphore(%run_scoped3A : memref<!tpu.dma_semaphore, #tpu.memory_space<semaphore_mem>>) src(%dma_wait3A_851 : memref<100xi32, #tpu.memory_space<hbm>>) dst(%arg8 : memref<100xi32, #tpu.memory_space<vmem>>)
      tpu.yield
    }) : () -> ()
    "tpu.region"() ({
      %run_scoped3A = tpu.sem_alloc : memref<!tpu.dma_semaphore, #tpu.memory_space<semaphore_mem>>
      %dma_start3A_840 = arith.constant 0 : i32
      %dma_start3A_841 = tpu.memref_slice %arg4[%add3A_30, %dma_start3A_840] : memref<4x100xi32, #tpu.memory_space<hbm>> -> memref<1x100xi32, #tpu.memory_space<hbm>>
      %dma_start3A_842 = tpu.memref_squeeze %dma_start3A_841 : memref<1x100xi32, #tpu.memory_space<hbm>> -> memref<100xi32, #tpu.memory_space<hbm>>
      %dma_start3A_843 = arith.constant 0 : i32
      %dma_start3A_844 = tpu.memref_slice %arg4[%add3A_30, %dma_start3A_843] : memref<4x100xi32, #tpu.memory_space<hbm>> -> memref<1x100xi32, #tpu.memory_space<hbm>>
      %dma_start3A_845 = tpu.memref_squeeze %dma_start3A_844 : memref<1x100xi32, #tpu.memory_space<hbm>> -> memref<100xi32, #tpu.memory_space<hbm>>
      tpu.enqueue_dma source(%dma_start3A_845 : memref<100xi32, #tpu.memory_space<hbm>>) target(%arg9 : memref<100xi32, #tpu.memory_space<vmem>>) target_semaphore(%run_scoped3A : memref<!tpu.dma_semaphore, #tpu.memory_space<semaphore_mem>>)
      %dma_wait3A_846 = arith.constant 0 : i32
      %dma_wait3A_847 = tpu.memref_slice %arg4[%add3A_30, %dma_wait3A_846] : memref<4x100xi32, #tpu.memory_space<hbm>> -> memref<1x100xi32, #tpu.memory_space<hbm>>
      %dma_wait3A_848 = tpu.memref_squeeze %dma_wait3A_847 : memref<1x100xi32, #tpu.memory_space<hbm>> -> memref<100xi32, #tpu.memory_space<hbm>>
      %dma_wait3A_849 = arith.constant 0 : i32
      %dma_wait3A_850 = tpu.memref_slice %arg4[%add3A_30, %dma_wait3A_849] : memref<4x100xi32, #tpu.memory_space<hbm>> -> memref<1x100xi32, #tpu.memory_space<hbm>>
      %dma_wait3A_851 = tpu.memref_squeeze %dma_wait3A_850 : memref<1x100xi32, #tpu.memory_space<hbm>> -> memref<100xi32, #tpu.memory_space<hbm>>
      tpu.wait_dma2 semaphore(%run_scoped3A : memref<!tpu.dma_semaphore, #tpu.memory_space<semaphore_mem>>) src(%dma_wait3A_851 : memref<100xi32, #tpu.memory_space<hbm>>) dst(%arg9 : memref<100xi32, #tpu.memory_space<vmem>>)
      tpu.yield
    }) : () -> ()
    %iota3A = tpu.iota {dimensions = array<i32: 0>} : vector<16xi32>
    %broadcast_in_dim3A = arith.constant 0.000000e+00 : f32
    %broadcast_in_dim3A_39 = vector.broadcast %broadcast_in_dim3A : f32 to vector<16xf32>
    %broadcast_in_dim3A_40 = arith.constant 0 : i32
    %broadcast_in_dim3A_41 = vector.broadcast %broadcast_in_dim3A_40 : i32 to vector<16xi32>
    %broadcast_in_dim3A_42 = arith.constant 0.699999988 : f32
    %broadcast_in_dim3A_43 = vector.broadcast %broadcast_in_dim3A_42 : f32 to vector<16xf32>
    %broadcast_in_dim3A_44 = arith.constant -3.000000e-01 : f32
    %broadcast_in_dim3A_45 = vector.broadcast %broadcast_in_dim3A_44 : f32 to vector<16xf32>
    %add3A_46 = arith.constant 0 : i32
    %add3A_47 = vector.broadcast %add3A_46 : i32 to vector<16xi32>
    %add3A_48 = arith.addi %iota3A, %add3A_47 : vector<16xi32>
    %mul3A_49 = arith.constant 2 : i32
    %mul3A_50 = vector.broadcast %mul3A_49 : i32 to vector<16xi32>
    %mul3A_51 = arith.muli %mul3A_50, %add3A_48 : vector<16xi32>
    %gather3A = tpu.vector_load_idx %arg8[%mul3A_51] : memref<100xi32, #tpu.memory_space<vmem>>[vector<16xi32>], vector<16xi32>,
    %add3A_52 = arith.constant 1 : i32
    %add3A_53 = vector.broadcast %add3A_52 : i32 to vector<16xi32>
    %add3A_54 = arith.addi %mul3A_51, %add3A_53 : vector<16xi32>
    %gather3A_55 = tpu.vector_load_idx %arg8[%add3A_54] : memref<100xi32, #tpu.memory_space<vmem>>[vector<16xi32>], vector<16xi32>,
    %jit3A_56 = arith.constant 16 : i32
    %div3A_57 = vector.broadcast %jit3A_56 : i32 to vector<16xi32>
    %div3A_58 = arith.divsi %gather3A, %div3A_57 : vector<16xi32>
    %sign3A_59 = arith.constant 0 : i32
    %sign3A_60 = vector.broadcast %sign3A_59 : i32 to vector<16xi32>
    %sign3A_61 = arith.cmpi sgt, %gather3A, %sign3A_60 : vector<16xi32>
    %sign3A_62 = arith.extui %sign3A_61 : vector<16xi1> to vector<16xi32>
    %sign3A_63 = arith.constant 0 : i32
    %sign3A_64 = vector.broadcast %sign3A_63 : i32 to vector<16xi32>
    %sign3A_65 = arith.cmpi slt, %gather3A, %sign3A_64 : vector<16xi32>
    %sign3A_66 = arith.extui %sign3A_65 : vector<16xi1> to vector<16xi32>
    %sign3A_67 = arith.subi %sign3A_62, %sign3A_66 : vector<16xi32>
    %sign3A_68 = arith.constant 0 : i32
    %sign3A_69 = arith.cmpi sgt, %jit3A_56, %sign3A_68 : i32
    %sign3A_70 = arith.extui %sign3A_69 : i1 to i32
    %sign3A_71 = arith.constant 0 : i32
    %sign3A_72 = arith.cmpi slt, %jit3A_56, %sign3A_71 : i32
    %sign3A_73 = arith.extui %sign3A_72 : i1 to i32
    %sign3A_74 = arith.subi %sign3A_70, %sign3A_73 : i32
    %ne3A_75 = vector.broadcast %sign3A_74 : i32 to vector<16xi32>
    %ne3A_76 = arith.cmpi ne, %sign3A_67, %ne3A_75 : vector<16xi32>
    %rem3A_77 = vector.broadcast %jit3A_56 : i32 to vector<16xi32>
    %rem3A_78 = arith.remsi %gather3A, %rem3A_77 : vector<16xi32>
    %ne3A_79 = arith.constant 0 : i32
    %ne3A_80 = vector.broadcast %ne3A_79 : i32 to vector<16xi32>
    %ne3A_81 = arith.cmpi ne, %rem3A_78, %ne3A_80 : vector<16xi32>
    %and3A_82 = arith.andi %ne3A_76, %ne3A_81 : vector<16xi1>
    %sub3A_83 = arith.constant 1 : i32
    %sub3A_84 = vector.broadcast %sub3A_83 : i32 to vector<16xi32>
    %sub3A_85 = arith.subi %div3A_58, %sub3A_84 : vector<16xi32>
    %select_n3A_86 = arith.select %and3A_82, %sub3A_85, %div3A_58 : vector<16xi1>, vector<16xi32>
    %mul3A_87 = arith.constant 14 : i32
    %mul3A_88 = vector.broadcast %mul3A_87 : i32 to vector<16xi32>
    %mul3A_89 = arith.muli %select_n3A_86, %mul3A_88 : vector<16xi32>
    %jit3A_90 = arith.constant 16 : i32
    %div3A_91 = vector.broadcast %jit3A_90 : i32 to vector<16xi32>
    %div3A_92 = arith.divsi %gather3A_55, %div3A_91 : vector<16xi32>
    %sign3A_93 = arith.constant 0 : i32
    %sign3A_94 = vector.broadcast %sign3A_93 : i32 to vector<16xi32>
    %sign3A_95 = arith.cmpi sgt, %gather3A_55, %sign3A_94 : vector<16xi32>
    %sign3A_96 = arith.extui %sign3A_95 : vector<16xi1> to vector<16xi32>
    %sign3A_97 = arith.constant 0 : i32
    %sign3A_98 = vector.broadcast %sign3A_97 : i32 to vector<16xi32>
    %sign3A_99 = arith.cmpi slt, %gather3A_55, %sign3A_98 : vector<16xi32>
    %sign3A_100 = arith.extui %sign3A_99 : vector<16xi1> to vector<16xi32>
    %sign3A_101 = arith.subi %sign3A_96, %sign3A_100 : vector<16xi32>
    %sign3A_102 = arith.constant 0 : i32
    %sign3A_103 = arith.cmpi sgt, %jit3A_90, %sign3A_102 : i32
    %sign3A_104 = arith.extui %sign3A_103 : i1 to i32
    %sign3A_105 = arith.constant 0 : i32
    %sign3A_106 = arith.cmpi slt, %jit3A_90, %sign3A_105 : i32
    %sign3A_107 = arith.extui %sign3A_106 : i1 to i32
    %sign3A_108 = arith.subi %sign3A_104, %sign3A_107 : i32
    %ne3A_109 = vector.broadcast %sign3A_108 : i32 to vector<16xi32>
    %ne3A_110 = arith.cmpi ne, %sign3A_101, %ne3A_109 : vector<16xi32>
    %rem3A_111 = vector.broadcast %jit3A_90 : i32 to vector<16xi32>
    %rem3A_112 = arith.remsi %gather3A_55, %rem3A_111 : vector<16xi32>
    %ne3A_113 = arith.constant 0 : i32
    %ne3A_114 = vector.broadcast %ne3A_113 : i32 to vector<16xi32>
    %ne3A_115 = arith.cmpi ne, %rem3A_112, %ne3A_114 : vector<16xi32>
    %and3A_116 = arith.andi %ne3A_110, %ne3A_115 : vector<16xi1>
    %sub3A_117 = arith.constant 1 : i32
    %sub3A_118 = vector.broadcast %sub3A_117 : i32 to vector<16xi32>
    %sub3A_119 = arith.subi %div3A_92, %sub3A_118 : vector<16xi32>
    %select_n3A_120 = arith.select %and3A_116, %sub3A_119, %div3A_92 : vector<16xi1>, vector<16xi32>
    %add3A_121 = arith.addi %mul3A_89, %select_n3A_120 : vector<16xi32>
    %swap3A = arith.constant 0 : index
    %swap3A_122 = tpu.vector_load %arg10[%swap3A] {strides = array<i32>} : memref<112xi32, #tpu.memory_space<vmem>>, vector<16xi32>,
    tpu.vector_store %arg10[%swap3A], %add3A_121 {strides = array<i32>} : memref<112xi32, #tpu.memory_space<vmem>>, vector<16xi32>,
    %swap3A_123 = arith.constant 0 : index
    %swap3A_124 = tpu.vector_load %arg11[%swap3A_123] {strides = array<i32>} : memref<112xf32, #tpu.memory_space<vmem>>, vector<16xf32>,
    tpu.vector_store %arg11[%swap3A_123], %broadcast_in_dim3A_43 {strides = array<i32>} : memref<112xf32, #tpu.memory_space<vmem>>, vector<16xf32>,
    %add3A_125 = arith.constant 16 : i32
    %add3A_126 = vector.broadcast %add3A_125 : i32 to vector<16xi32>
    %add3A_127 = arith.addi %iota3A, %add3A_126 : vector<16xi32>
    %mul3A_128 = arith.constant 2 : i32
    %mul3A_129 = vector.broadcast %mul3A_128 : i32 to vector<16xi32>
    %mul3A_130 = arith.muli %mul3A_129, %add3A_127 : vector<16xi32>
    %gather3A_131 = tpu.vector_load_idx %arg8[%mul3A_130] : memref<100xi32, #tpu.memory_space<vmem>>[vector<16xi32>], vector<16xi32>,
    %add3A_132 = arith.constant 1 : i32
    %add3A_133 = vector.broadcast %add3A_132 : i32 to vector<16xi32>
    %add3A_134 = arith.addi %mul3A_130, %add3A_133 : vector<16xi32>
    %gather3A_135 = tpu.vector_load_idx %arg8[%add3A_134] : memref<100xi32, #tpu.memory_space<vmem>>[vector<16xi32>], vector<16xi32>,
    %jit3A_136 = arith.constant 16 : i32
    %div3A_137 = vector.broadcast %jit3A_136 : i32 to vector<16xi32>
    %div3A_138 = arith.divsi %gather3A_131, %div3A_137 : vector<16xi32>
    %sign3A_139 = arith.constant 0 : i32
    %sign3A_140 = vector.broadcast %sign3A_139 : i32 to vector<16xi32>
    %sign3A_141 = arith.cmpi sgt, %gather3A_131, %sign3A_140 : vector<16xi32>
    %sign3A_142 = arith.extui %sign3A_141 : vector<16xi1> to vector<16xi32>
    %sign3A_143 = arith.constant 0 : i32
    %sign3A_144 = vector.broadcast %sign3A_143 : i32 to vector<16xi32>
    %sign3A_145 = arith.cmpi slt, %gather3A_131, %sign3A_144 : vector<16xi32>
    %sign3A_146 = arith.extui %sign3A_145 : vector<16xi1> to vector<16xi32>
    %sign3A_147 = arith.subi %sign3A_142, %sign3A_146 : vector<16xi32>
    %sign3A_148 = arith.constant 0 : i32
    %sign3A_149 = arith.cmpi sgt, %jit3A_136, %sign3A_148 : i32
    %sign3A_150 = arith.extui %sign3A_149 : i1 to i32
    %sign3A_151 = arith.constant 0 : i32
    %sign3A_152 = arith.cmpi slt, %jit3A_136, %sign3A_151 : i32
    %sign3A_153 = arith.extui %sign3A_152 : i1 to i32
    %sign3A_154 = arith.subi %sign3A_150, %sign3A_153 : i32
    %ne3A_155 = vector.broadcast %sign3A_154 : i32 to vector<16xi32>
    %ne3A_156 = arith.cmpi ne, %sign3A_147, %ne3A_155 : vector<16xi32>
    %rem3A_157 = vector.broadcast %jit3A_136 : i32 to vector<16xi32>
    %rem3A_158 = arith.remsi %gather3A_131, %rem3A_157 : vector<16xi32>
    %ne3A_159 = arith.constant 0 : i32
    %ne3A_160 = vector.broadcast %ne3A_159 : i32 to vector<16xi32>
    %ne3A_161 = arith.cmpi ne, %rem3A_158, %ne3A_160 : vector<16xi32>
    %and3A_162 = arith.andi %ne3A_156, %ne3A_161 : vector<16xi1>
    %sub3A_163 = arith.constant 1 : i32
    %sub3A_164 = vector.broadcast %sub3A_163 : i32 to vector<16xi32>
    %sub3A_165 = arith.subi %div3A_138, %sub3A_164 : vector<16xi32>
    %select_n3A_166 = arith.select %and3A_162, %sub3A_165, %div3A_138 : vector<16xi1>, vector<16xi32>
    %mul3A_167 = arith.constant 14 : i32
    %mul3A_168 = vector.broadcast %mul3A_167 : i32 to vector<16xi32>
    %mul3A_169 = arith.muli %select_n3A_166, %mul3A_168 : vector<16xi32>
    %jit3A_170 = arith.constant 16 : i32
    %div3A_171 = vector.broadcast %jit3A_170 : i32 to vector<16xi32>
    %div3A_172 = arith.divsi %gather3A_135, %div3A_171 : vector<16xi32>
    %sign3A_173 = arith.constant 0 : i32
    %sign3A_174 = vector.broadcast %sign3A_173 : i32 to vector<16xi32>
    %sign3A_175 = arith.cmpi sgt, %gather3A_135, %sign3A_174 : vector<16xi32>
    %sign3A_176 = arith.extui %sign3A_175 : vector<16xi1> to vector<16xi32>
    %sign3A_177 = arith.constant 0 : i32
    %sign3A_178 = vector.broadcast %sign3A_177 : i32 to vector<16xi32>
    %sign3A_179 = arith.cmpi slt, %gather3A_135, %sign3A_178 : vector<16xi32>
    %sign3A_180 = arith.extui %sign3A_179 : vector<16xi1> to vector<16xi32>
    %sign3A_181 = arith.subi %sign3A_176, %sign3A_180 : vector<16xi32>
    %sign3A_182 = arith.constant 0 : i32
    %sign3A_183 = arith.cmpi sgt, %jit3A_170, %sign3A_182 : i32
    %sign3A_184 = arith.extui %sign3A_183 : i1 to i32
    %sign3A_185 = arith.constant 0 : i32
    %sign3A_186 = arith.cmpi slt, %jit3A_170, %sign3A_185 : i32
    %sign3A_187 = arith.extui %sign3A_186 : i1 to i32
    %sign3A_188 = arith.subi %sign3A_184, %sign3A_187 : i32
    %ne3A_189 = vector.broadcast %sign3A_188 : i32 to vector<16xi32>
    %ne3A_190 = arith.cmpi ne, %sign3A_181, %ne3A_189 : vector<16xi32>
    %rem3A_191 = vector.broadcast %jit3A_170 : i32 to vector<16xi32>
    %rem3A_192 = arith.remsi %gather3A_135, %rem3A_191 : vector<16xi32>
    %ne3A_193 = arith.constant 0 : i32
    %ne3A_194 = vector.broadcast %ne3A_193 : i32 to vector<16xi32>
    %ne3A_195 = arith.cmpi ne, %rem3A_192, %ne3A_194 : vector<16xi32>
    %and3A_196 = arith.andi %ne3A_190, %ne3A_195 : vector<16xi1>
    %sub3A_197 = arith.constant 1 : i32
    %sub3A_198 = vector.broadcast %sub3A_197 : i32 to vector<16xi32>
    %sub3A_199 = arith.subi %div3A_172, %sub3A_198 : vector<16xi32>
    %select_n3A_200 = arith.select %and3A_196, %sub3A_199, %div3A_172 : vector<16xi1>, vector<16xi32>
    %add3A_201 = arith.addi %mul3A_169, %select_n3A_200 : vector<16xi32>
    %swap3A_202 = arith.constant 16 : index
    %swap3A_203 = tpu.vector_load %arg10[%swap3A_202] {strides = array<i32>} : memref<112xi32, #tpu.memory_space<vmem>>, vector<16xi32>,
    tpu.vector_store %arg10[%swap3A_202], %add3A_201 {strides = array<i32>} : memref<112xi32, #tpu.memory_space<vmem>>, vector<16xi32>,
    %swap3A_204 = arith.constant 16 : index
    %swap3A_205 = tpu.vector_load %arg11[%swap3A_204] {strides = array<i32>} : memref<112xf32, #tpu.memory_space<vmem>>, vector<16xf32>,
    tpu.vector_store %arg11[%swap3A_204], %broadcast_in_dim3A_43 {strides = array<i32>} : memref<112xf32, #tpu.memory_space<vmem>>, vector<16xf32>,
    %add3A_206 = arith.constant 32 : i32
    %add3A_207 = vector.broadcast %add3A_206 : i32 to vector<16xi32>
    %add3A_208 = arith.addi %iota3A, %add3A_207 : vector<16xi32>
    %mul3A_209 = arith.constant 2 : i32
    %mul3A_210 = vector.broadcast %mul3A_209 : i32 to vector<16xi32>
    %mul3A_211 = arith.muli %mul3A_210, %add3A_208 : vector<16xi32>
    %gather3A_212 = tpu.vector_load_idx %arg8[%mul3A_211] : memref<100xi32, #tpu.memory_space<vmem>>[vector<16xi32>], vector<16xi32>,
    %add3A_213 = arith.constant 1 : i32
    %add3A_214 = vector.broadcast %add3A_213 : i32 to vector<16xi32>
    %add3A_215 = arith.addi %mul3A_211, %add3A_214 : vector<16xi32>
    %gather3A_216 = tpu.vector_load_idx %arg8[%add3A_215] : memref<100xi32, #tpu.memory_space<vmem>>[vector<16xi32>], vector<16xi32>,
    %jit3A_217 = arith.constant 16 : i32
    %div3A_218 = vector.broadcast %jit3A_217 : i32 to vector<16xi32>
    %div3A_219 = arith.divsi %gather3A_212, %div3A_218 : vector<16xi32>
    %sign3A_220 = arith.constant 0 : i32
    %sign3A_221 = vector.broadcast %sign3A_220 : i32 to vector<16xi32>
    %sign3A_222 = arith.cmpi sgt, %gather3A_212, %sign3A_221 : vector<16xi32>
    %sign3A_223 = arith.extui %sign3A_222 : vector<16xi1> to vector<16xi32>
    %sign3A_224 = arith.constant 0 : i32
    %sign3A_225 = vector.broadcast %sign3A_224 : i32 to vector<16xi32>
    %sign3A_226 = arith.cmpi slt, %gather3A_212, %sign3A_225 : vector<16xi32>
    %sign3A_227 = arith.extui %sign3A_226 : vector<16xi1> to vector<16xi32>
    %sign3A_228 = arith.subi %sign3A_223, %sign3A_227 : vector<16xi32>
    %sign3A_229 = arith.constant 0 : i32
    %sign3A_230 = arith.cmpi sgt, %jit3A_217, %sign3A_229 : i32
    %sign3A_231 = arith.extui %sign3A_230 : i1 to i32
    %sign3A_232 = arith.constant 0 : i32
    %sign3A_233 = arith.cmpi slt, %jit3A_217, %sign3A_232 : i32
    %sign3A_234 = arith.extui %sign3A_233 : i1 to i32
    %sign3A_235 = arith.subi %sign3A_231, %sign3A_234 : i32
    %ne3A_236 = vector.broadcast %sign3A_235 : i32 to vector<16xi32>
    %ne3A_237 = arith.cmpi ne, %sign3A_228, %ne3A_236 : vector<16xi32>
    %rem3A_238 = vector.broadcast %jit3A_217 : i32 to vector<16xi32>
    %rem3A_239 = arith.remsi %gather3A_212, %rem3A_238 : vector<16xi32>
    %ne3A_240 = arith.constant 0 : i32
    %ne3A_241 = vector.broadcast %ne3A_240 : i32 to vector<16xi32>
    %ne3A_242 = arith.cmpi ne, %rem3A_239, %ne3A_241 : vector<16xi32>
    %and3A_243 = arith.andi %ne3A_237, %ne3A_242 : vector<16xi1>
    %sub3A_244 = arith.constant 1 : i32
    %sub3A_245 = vector.broadcast %sub3A_244 : i32 to vector<16xi32>
    %sub3A_246 = arith.subi %div3A_219, %sub3A_245 : vector<16xi32>
    %select_n3A_247 = arith.select %and3A_243, %sub3A_246, %div3A_219 : vector<16xi1>, vector<16xi32>
    %mul3A_248 = arith.constant 14 : i32
    %mul3A_249 = vector.broadcast %mul3A_248 : i32 to vector<16xi32>
    %mul3A_250 = arith.muli %select_n3A_247, %mul3A_249 : vector<16xi32>
    %jit3A_251 = arith.constant 16 : i32
    %div3A_252 = vector.broadcast %jit3A_251 : i32 to vector<16xi32>
    %div3A_253 = arith.divsi %gather3A_216, %div3A_252 : vector<16xi32>
    %sign3A_254 = arith.constant 0 : i32
    %sign3A_255 = vector.broadcast %sign3A_254 : i32 to vector<16xi32>
    %sign3A_256 = arith.cmpi sgt, %gather3A_216, %sign3A_255 : vector<16xi32>
    %sign3A_257 = arith.extui %sign3A_256 : vector<16xi1> to vector<16xi32>
    %sign3A_258 = arith.constant 0 : i32
    %sign3A_259 = vector.broadcast %sign3A_258 : i32 to vector<16xi32>
    %sign3A_260 = arith.cmpi slt, %gather3A_216, %sign3A_259 : vector<16xi32>
    %sign3A_261 = arith.extui %sign3A_260 : vector<16xi1> to vector<16xi32>
    %sign3A_262 = arith.subi %sign3A_257, %sign3A_261 : vector<16xi32>
    %sign3A_263 = arith.constant 0 : i32
    %sign3A_264 = arith.cmpi sgt, %jit3A_251, %sign3A_263 : i32
    %sign3A_265 = arith.extui %sign3A_264 : i1 to i32
    %sign3A_266 = arith.constant 0 : i32
    %sign3A_267 = arith.cmpi slt, %jit3A_251, %sign3A_266 : i32
    %sign3A_268 = arith.extui %sign3A_267 : i1 to i32
    %sign3A_269 = arith.subi %sign3A_265, %sign3A_268 : i32
    %ne3A_270 = vector.broadcast %sign3A_269 : i32 to vector<16xi32>
    %ne3A_271 = arith.cmpi ne, %sign3A_262, %ne3A_270 : vector<16xi32>
    %rem3A_272 = vector.broadcast %jit3A_251 : i32 to vector<16xi32>
    %rem3A_273 = arith.remsi %gather3A_216, %rem3A_272 : vector<16xi32>
    %ne3A_274 = arith.constant 0 : i32
    %ne3A_275 = vector.broadcast %ne3A_274 : i32 to vector<16xi32>
    %ne3A_276 = arith.cmpi ne, %rem3A_273, %ne3A_275 : vector<16xi32>
    %and3A_277 = arith.andi %ne3A_271, %ne3A_276 : vector<16xi1>
    %sub3A_278 = arith.constant 1 : i32
    %sub3A_279 = vector.broadcast %sub3A_278 : i32 to vector<16xi32>
    %sub3A_280 = arith.subi %div3A_253, %sub3A_279 : vector<16xi32>
    %select_n3A_281 = arith.select %and3A_277, %sub3A_280, %div3A_253 : vector<16xi1>, vector<16xi32>
    %add3A_282 = arith.addi %mul3A_250, %select_n3A_281 : vector<16xi32>
    %swap3A_283 = arith.constant 32 : index
    %swap3A_284 = tpu.vector_load %arg10[%swap3A_283] {strides = array<i32>} : memref<112xi32, #tpu.memory_space<vmem>>, vector<16xi32>,
    tpu.vector_store %arg10[%swap3A_283], %add3A_282 {strides = array<i32>} : memref<112xi32, #tpu.memory_space<vmem>>, vector<16xi32>,
    %swap3A_285 = arith.constant 32 : index
    %swap3A_286 = tpu.vector_load %arg11[%swap3A_285] {strides = array<i32>} : memref<112xf32, #tpu.memory_space<vmem>>, vector<16xf32>,
    tpu.vector_store %arg11[%swap3A_285], %broadcast_in_dim3A_43 {strides = array<i32>} : memref<112xf32, #tpu.memory_space<vmem>>, vector<16xf32>,
    %add3A_287 = arith.constant 48 : i32
    %add3A_288 = vector.broadcast %add3A_287 : i32 to vector<16xi32>
    %add3A_289 = arith.addi %iota3A, %add3A_288 : vector<16xi32>
    %mul3A_290 = arith.constant 2 : i32
    %mul3A_291 = vector.broadcast %mul3A_290 : i32 to vector<16xi32>
    %mul3A_292 = arith.muli %mul3A_291, %add3A_289 : vector<16xi32>
    %min3A = arith.constant 98 : i32
    %min3A_293 = vector.broadcast %min3A : i32 to vector<16xi32>
    %min3A_294 = arith.minsi %mul3A_292, %min3A_293 : vector<16xi32>
    %sub3A_295 = arith.constant 50 : i32
    %sub3A_296 = vector.broadcast %sub3A_295 : i32 to vector<16xi32>
    %sub3A_297 = arith.subi %add3A_289, %sub3A_296 : vector<16xi32>
    %mul3A_298 = arith.constant 2 : i32
    %mul3A_299 = vector.broadcast %mul3A_298 : i32 to vector<16xi32>
    %mul3A_300 = arith.muli %mul3A_299, %sub3A_297 : vector<16xi32>
    %jit3A_301 = arith.constant 0 : i32
    %jit3A_302 = arith.constant 98 : i32
    %max3A = vector.broadcast %jit3A_301 : i32 to vector<16xi32>
    %max3A_303 = arith.maxsi %max3A, %mul3A_300 : vector<16xi32>
    %min3A_304 = vector.broadcast %jit3A_302 : i32 to vector<16xi32>
    %min3A_305 = arith.minsi %min3A_304, %max3A_303 : vector<16xi32>
    %lt3A_306 = arith.constant 50 : i32
    %lt3A_307 = vector.broadcast %lt3A_306 : i32 to vector<16xi32>
    %lt3A_308 = arith.cmpi slt, %add3A_289, %lt3A_307 : vector<16xi32>
    %gather3A_309 = tpu.vector_load_idx %arg8[%min3A_294] : memref<100xi32, #tpu.memory_space<vmem>>[vector<16xi32>], vector<16xi32>,
    %gather3A_310 = tpu.vector_load_idx %arg9[%min3A_305] : memref<100xi32, #tpu.memory_space<vmem>>[vector<16xi32>], vector<16xi32>,
    %select_n3A_311 = arith.select %lt3A_308, %gather3A_309, %gather3A_310 : vector<16xi1>, vector<16xi32>
    %lt3A_312 = arith.constant 50 : i32
    %lt3A_313 = vector.broadcast %lt3A_312 : i32 to vector<16xi32>
    %lt3A_314 = arith.cmpi slt, %add3A_289, %lt3A_313 : vector<16xi32>
    %add3A_315 = arith.constant 1 : i32
    %add3A_316 = vector.broadcast %add3A_315 : i32 to vector<16xi32>
    %add3A_317 = arith.addi %min3A_294, %add3A_316 : vector<16xi32>
    %gather3A_318 = tpu.vector_load_idx %arg8[%add3A_317] : memref<100xi32, #tpu.memory_space<vmem>>[vector<16xi32>], vector<16xi32>,
    %add3A_319 = arith.constant 1 : i32
    %add3A_320 = vector.broadcast %add3A_319 : i32 to vector<16xi32>
    %add3A_321 = arith.addi %min3A_305, %add3A_320 : vector<16xi32>
    %gather3A_322 = tpu.vector_load_idx %arg9[%add3A_321] : memref<100xi32, #tpu.memory_space<vmem>>[vector<16xi32>], vector<16xi32>,
    %select_n3A_323 = arith.select %lt3A_314, %gather3A_318, %gather3A_322 : vector<16xi1>, vector<16xi32>
    %lt3A_324 = arith.constant 50 : i32
    %lt3A_325 = vector.broadcast %lt3A_324 : i32 to vector<16xi32>
    %lt3A_326 = arith.cmpi slt, %add3A_289, %lt3A_325 : vector<16xi32>
    %select_n3A_327 = arith.select %lt3A_326, %broadcast_in_dim3A_43, %broadcast_in_dim3A_45 : vector<16xi1>, vector<16xf32>
    %jit3A_328 = arith.constant 16 : i32
    %div3A_329 = vector.broadcast %jit3A_328 : i32 to vector<16xi32>
    %div3A_330 = arith.divsi %select_n3A_311, %div3A_329 : vector<16xi32>
    %sign3A_331 = arith.constant 0 : i32
    %sign3A_332 = vector.broadcast %sign3A_331 : i32 to vector<16xi32>
    %sign3A_333 = arith.cmpi sgt, %select_n3A_311, %sign3A_332 : vector<16xi32>
    %sign3A_334 = arith.extui %sign3A_333 : vector<16xi1> to vector<16xi32>
    %sign3A_335 = arith.constant 0 : i32
    %sign3A_336 = vector.broadcast %sign3A_335 : i32 to vector<16xi32>
    %sign3A_337 = arith.cmpi slt, %select_n3A_311, %sign3A_336 : vector<16xi32>
    %sign3A_338 = arith.extui %sign3A_337 : vector<16xi1> to vector<16xi32>
    %sign3A_339 = arith.subi %sign3A_334, %sign3A_338 : vector<16xi32>
    %sign3A_340 = arith.constant 0 : i32
    %sign3A_341 = arith.cmpi sgt, %jit3A_328, %sign3A_340 : i32
    %sign3A_342 = arith.extui %sign3A_341 : i1 to i32
    %sign3A_343 = arith.constant 0 : i32
    %sign3A_344 = arith.cmpi slt, %jit3A_328, %sign3A_343 : i32
    %sign3A_345 = arith.extui %sign3A_344 : i1 to i32
    %sign3A_346 = arith.subi %sign3A_342, %sign3A_345 : i32
    %ne3A_347 = vector.broadcast %sign3A_346 : i32 to vector<16xi32>
    %ne3A_348 = arith.cmpi ne, %sign3A_339, %ne3A_347 : vector<16xi32>
    %rem3A_349 = vector.broadcast %jit3A_328 : i32 to vector<16xi32>
    %rem3A_350 = arith.remsi %select_n3A_311, %rem3A_349 : vector<16xi32>
    %ne3A_351 = arith.constant 0 : i32
    %ne3A_352 = vector.broadcast %ne3A_351 : i32 to vector<16xi32>
    %ne3A_353 = arith.cmpi ne, %rem3A_350, %ne3A_352 : vector<16xi32>
    %and3A_354 = arith.andi %ne3A_348, %ne3A_353 : vector<16xi1>
    %sub3A_355 = arith.constant 1 : i32
    %sub3A_356 = vector.broadcast %sub3A_355 : i32 to vector<16xi32>
    %sub3A_357 = arith.subi %div3A_330, %sub3A_356 : vector<16xi32>
    %select_n3A_358 = arith.select %and3A_354, %sub3A_357, %div3A_330 : vector<16xi1>, vector<16xi32>
    %mul3A_359 = arith.constant 14 : i32
    %mul3A_360 = vector.broadcast %mul3A_359 : i32 to vector<16xi32>
    %mul3A_361 = arith.muli %select_n3A_358, %mul3A_360 : vector<16xi32>
    %jit3A_362 = arith.constant 16 : i32
    %div3A_363 = vector.broadcast %jit3A_362 : i32 to vector<16xi32>
    %div3A_364 = arith.divsi %select_n3A_323, %div3A_363 : vector<16xi32>
    %sign3A_365 = arith.constant 0 : i32
    %sign3A_366 = vector.broadcast %sign3A_365 : i32 to vector<16xi32>
    %sign3A_367 = arith.cmpi sgt, %select_n3A_323, %sign3A_366 : vector<16xi32>
    %sign3A_368 = arith.extui %sign3A_367 : vector<16xi1> to vector<16xi32>
    %sign3A_369 = arith.constant 0 : i32
    %sign3A_370 = vector.broadcast %sign3A_369 : i32 to vector<16xi32>
    %sign3A_371 = arith.cmpi slt, %select_n3A_323, %sign3A_370 : vector<16xi32>
    %sign3A_372 = arith.extui %sign3A_371 : vector<16xi1> to vector<16xi32>
    %sign3A_373 = arith.subi %sign3A_368, %sign3A_372 : vector<16xi32>
    %sign3A_374 = arith.constant 0 : i32
    %sign3A_375 = arith.cmpi sgt, %jit3A_362, %sign3A_374 : i32
    %sign3A_376 = arith.extui %sign3A_375 : i1 to i32
    %sign3A_377 = arith.constant 0 : i32
    %sign3A_378 = arith.cmpi slt, %jit3A_362, %sign3A_377 : i32
    %sign3A_379 = arith.extui %sign3A_378 : i1 to i32
    %sign3A_380 = arith.subi %sign3A_376, %sign3A_379 : i32
    %ne3A_381 = vector.broadcast %sign3A_380 : i32 to vector<16xi32>
    %ne3A_382 = arith.cmpi ne, %sign3A_373, %ne3A_381 : vector<16xi32>
    %rem3A_383 = vector.broadcast %jit3A_362 : i32 to vector<16xi32>
    %rem3A_384 = arith.remsi %select_n3A_323, %rem3A_383 : vector<16xi32>
    %ne3A_385 = arith.constant 0 : i32
    %ne3A_386 = vector.broadcast %ne3A_385 : i32 to vector<16xi32>
    %ne3A_387 = arith.cmpi ne, %rem3A_384, %ne3A_386 : vector<16xi32>
    %and3A_388 = arith.andi %ne3A_382, %ne3A_387 : vector<16xi1>
    %sub3A_389 = arith.constant 1 : i32
    %sub3A_390 = vector.broadcast %sub3A_389 : i32 to vector<16xi32>
    %sub3A_391 = arith.subi %div3A_364, %sub3A_390 : vector<16xi32>
    %select_n3A_392 = arith.select %and3A_388, %sub3A_391, %div3A_364 : vector<16xi1>, vector<16xi32>
    %add3A_393 = arith.addi %mul3A_361, %select_n3A_392 : vector<16xi32>
    %swap3A_394 = arith.constant 48 : index
    %swap3A_395 = tpu.vector_load %arg10[%swap3A_394] {strides = array<i32>} : memref<112xi32, #tpu.memory_space<vmem>>, vector<16xi32>,
    tpu.vector_store %arg10[%swap3A_394], %add3A_393 {strides = array<i32>} : memref<112xi32, #tpu.memory_space<vmem>>, vector<16xi32>,
    %swap3A_396 = arith.constant 48 : index
    %swap3A_397 = tpu.vector_load %arg11[%swap3A_396] {strides = array<i32>} : memref<112xf32, #tpu.memory_space<vmem>>, vector<16xf32>,
    tpu.vector_store %arg11[%swap3A_396], %select_n3A_327 {strides = array<i32>} : memref<112xf32, #tpu.memory_space<vmem>>, vector<16xf32>,
    %add3A_398 = arith.constant 64 : i32
    %add3A_399 = vector.broadcast %add3A_398 : i32 to vector<16xi32>
    %add3A_400 = arith.addi %iota3A, %add3A_399 : vector<16xi32>
    %sub3A_401 = arith.constant 50 : i32
    %sub3A_402 = vector.broadcast %sub3A_401 : i32 to vector<16xi32>
    %sub3A_403 = arith.subi %add3A_400, %sub3A_402 : vector<16xi32>
    %mul3A_404 = arith.constant 2 : i32
    %mul3A_405 = vector.broadcast %mul3A_404 : i32 to vector<16xi32>
    %mul3A_406 = arith.muli %mul3A_405, %sub3A_403 : vector<16xi32>
    %min3A_407 = arith.constant 98 : i32
    %min3A_408 = vector.broadcast %min3A_407 : i32 to vector<16xi32>
    %min3A_409 = arith.minsi %mul3A_406, %min3A_408 : vector<16xi32>
    %gather3A_410 = tpu.vector_load_idx %arg9[%min3A_409] : memref<100xi32, #tpu.memory_space<vmem>>[vector<16xi32>], vector<16xi32>,
    %add3A_411 = arith.constant 1 : i32
    %add3A_412 = vector.broadcast %add3A_411 : i32 to vector<16xi32>
    %add3A_413 = arith.addi %min3A_409, %add3A_412 : vector<16xi32>
    %gather3A_414 = tpu.vector_load_idx %arg9[%add3A_413] : memref<100xi32, #tpu.memory_space<vmem>>[vector<16xi32>], vector<16xi32>,
    %lt3A_415 = arith.constant 100 : i32
    %lt3A_416 = vector.broadcast %lt3A_415 : i32 to vector<16xi32>
    %lt3A_417 = arith.cmpi slt, %add3A_400, %lt3A_416 : vector<16xi32>
    %select_n3A_418 = arith.select %lt3A_417, %broadcast_in_dim3A_45, %broadcast_in_dim3A_39 : vector<16xi1>, vector<16xf32>
    %jit3A_419 = arith.constant 16 : i32
    %div3A_420 = vector.broadcast %jit3A_419 : i32 to vector<16xi32>
    %div3A_421 = arith.divsi %gather3A_410, %div3A_420 : vector<16xi32>
    %sign3A_422 = arith.constant 0 : i32
    %sign3A_423 = vector.broadcast %sign3A_422 : i32 to vector<16xi32>
    %sign3A_424 = arith.cmpi sgt, %gather3A_410, %sign3A_423 : vector<16xi32>
    %sign3A_425 = arith.extui %sign3A_424 : vector<16xi1> to vector<16xi32>
    %sign3A_426 = arith.constant 0 : i32
    %sign3A_427 = vector.broadcast %sign3A_426 : i32 to vector<16xi32>
    %sign3A_428 = arith.cmpi slt, %gather3A_410, %sign3A_427 : vector<16xi32>
    %sign3A_429 = arith.extui %sign3A_428 : vector<16xi1> to vector<16xi32>
    %sign3A_430 = arith.subi %sign3A_425, %sign3A_429 : vector<16xi32>
    %sign3A_431 = arith.constant 0 : i32
    %sign3A_432 = arith.cmpi sgt, %jit3A_419, %sign3A_431 : i32
    %sign3A_433 = arith.extui %sign3A_432 : i1 to i32
    %sign3A_434 = arith.constant 0 : i32
    %sign3A_435 = arith.cmpi slt, %jit3A_419, %sign3A_434 : i32
    %sign3A_436 = arith.extui %sign3A_435 : i1 to i32
    %sign3A_437 = arith.subi %sign3A_433, %sign3A_436 : i32
    %ne3A_438 = vector.broadcast %sign3A_437 : i32 to vector<16xi32>
    %ne3A_439 = arith.cmpi ne, %sign3A_430, %ne3A_438 : vector<16xi32>
    %rem3A_440 = vector.broadcast %jit3A_419 : i32 to vector<16xi32>
    %rem3A_441 = arith.remsi %gather3A_410, %rem3A_440 : vector<16xi32>
    %ne3A_442 = arith.constant 0 : i32
    %ne3A_443 = vector.broadcast %ne3A_442 : i32 to vector<16xi32>
    %ne3A_444 = arith.cmpi ne, %rem3A_441, %ne3A_443 : vector<16xi32>
    %and3A_445 = arith.andi %ne3A_439, %ne3A_444 : vector<16xi1>
    %sub3A_446 = arith.constant 1 : i32
    %sub3A_447 = vector.broadcast %sub3A_446 : i32 to vector<16xi32>
    %sub3A_448 = arith.subi %div3A_421, %sub3A_447 : vector<16xi32>
    %select_n3A_449 = arith.select %and3A_445, %sub3A_448, %div3A_421 : vector<16xi1>, vector<16xi32>
    %mul3A_450 = arith.constant 14 : i32
    %mul3A_451 = vector.broadcast %mul3A_450 : i32 to vector<16xi32>
    %mul3A_452 = arith.muli %select_n3A_449, %mul3A_451 : vector<16xi32>
    %jit3A_453 = arith.constant 16 : i32
    %div3A_454 = vector.broadcast %jit3A_453 : i32 to vector<16xi32>
    %div3A_455 = arith.divsi %gather3A_414, %div3A_454 : vector<16xi32>
    %sign3A_456 = arith.constant 0 : i32
    %sign3A_457 = vector.broadcast %sign3A_456 : i32 to vector<16xi32>
    %sign3A_458 = arith.cmpi sgt, %gather3A_414, %sign3A_457 : vector<16xi32>
    %sign3A_459 = arith.extui %sign3A_458 : vector<16xi1> to vector<16xi32>
    %sign3A_460 = arith.constant 0 : i32
    %sign3A_461 = vector.broadcast %sign3A_460 : i32 to vector<16xi32>
    %sign3A_462 = arith.cmpi slt, %gather3A_414, %sign3A_461 : vector<16xi32>
    %sign3A_463 = arith.extui %sign3A_462 : vector<16xi1> to vector<16xi32>
    %sign3A_464 = arith.subi %sign3A_459, %sign3A_463 : vector<16xi32>
    %sign3A_465 = arith.constant 0 : i32
    %sign3A_466 = arith.cmpi sgt, %jit3A_453, %sign3A_465 : i32
    %sign3A_467 = arith.extui %sign3A_466 : i1 to i32
    %sign3A_468 = arith.constant 0 : i32
    %sign3A_469 = arith.cmpi slt, %jit3A_453, %sign3A_468 : i32
    %sign3A_470 = arith.extui %sign3A_469 : i1 to i32
    %sign3A_471 = arith.subi %sign3A_467, %sign3A_470 : i32
    %ne3A_472 = vector.broadcast %sign3A_471 : i32 to vector<16xi32>
    %ne3A_473 = arith.cmpi ne, %sign3A_464, %ne3A_472 : vector<16xi32>
    %rem3A_474 = vector.broadcast %jit3A_453 : i32 to vector<16xi32>
    %rem3A_475 = arith.remsi %gather3A_414, %rem3A_474 : vector<16xi32>
    %ne3A_476 = arith.constant 0 : i32
    %ne3A_477 = vector.broadcast %ne3A_476 : i32 to vector<16xi32>
    %ne3A_478 = arith.cmpi ne, %rem3A_475, %ne3A_477 : vector<16xi32>
    %and3A_479 = arith.andi %ne3A_473, %ne3A_478 : vector<16xi1>
    %sub3A_480 = arith.constant 1 : i32
    %sub3A_481 = vector.broadcast %sub3A_480 : i32 to vector<16xi32>
    %sub3A_482 = arith.subi %div3A_455, %sub3A_481 : vector<16xi32>
    %select_n3A_483 = arith.select %and3A_479, %sub3A_482, %div3A_455 : vector<16xi1>, vector<16xi32>
    %add3A_484 = arith.addi %mul3A_452, %select_n3A_483 : vector<16xi32>
    %swap3A_485 = arith.constant 64 : index
    %swap3A_486 = tpu.vector_load %arg10[%swap3A_485] {strides = array<i32>} : memref<112xi32, #tpu.memory_space<vmem>>, vector<16xi32>,
    tpu.vector_store %arg10[%swap3A_485], %add3A_484 {strides = array<i32>} : memref<112xi32, #tpu.memory_space<vmem>>, vector<16xi32>,
    %swap3A_487 = arith.constant 64 : index
    %swap3A_488 = tpu.vector_load %arg11[%swap3A_487] {strides = array<i32>} : memref<112xf32, #tpu.memory_space<vmem>>, vector<16xf32>,
    tpu.vector_store %arg11[%swap3A_487], %select_n3A_418 {strides = array<i32>} : memref<112xf32, #tpu.memory_space<vmem>>, vector<16xf32>,
    %add3A_489 = arith.constant 80 : i32
    %add3A_490 = vector.broadcast %add3A_489 : i32 to vector<16xi32>
    %add3A_491 = arith.addi %iota3A, %add3A_490 : vector<16xi32>
    %sub3A_492 = arith.constant 50 : i32
    %sub3A_493 = vector.broadcast %sub3A_492 : i32 to vector<16xi32>
    %sub3A_494 = arith.subi %add3A_491, %sub3A_493 : vector<16xi32>
    %mul3A_495 = arith.constant 2 : i32
    %mul3A_496 = vector.broadcast %mul3A_495 : i32 to vector<16xi32>
    %mul3A_497 = arith.muli %mul3A_496, %sub3A_494 : vector<16xi32>
    %min3A_498 = arith.constant 98 : i32
    %min3A_499 = vector.broadcast %min3A_498 : i32 to vector<16xi32>
    %min3A_500 = arith.minsi %mul3A_497, %min3A_499 : vector<16xi32>
    %gather3A_501 = tpu.vector_load_idx %arg9[%min3A_500] : memref<100xi32, #tpu.memory_space<vmem>>[vector<16xi32>], vector<16xi32>,
    %add3A_502 = arith.constant 1 : i32
    %add3A_503 = vector.broadcast %add3A_502 : i32 to vector<16xi32>
    %add3A_504 = arith.addi %min3A_500, %add3A_503 : vector<16xi32>
    %gather3A_505 = tpu.vector_load_idx %arg9[%add3A_504] : memref<100xi32, #tpu.memory_space<vmem>>[vector<16xi32>], vector<16xi32>,
    %lt3A_506 = arith.constant 100 : i32
    %lt3A_507 = vector.broadcast %lt3A_506 : i32 to vector<16xi32>
    %lt3A_508 = arith.cmpi slt, %add3A_491, %lt3A_507 : vector<16xi32>
    %select_n3A_509 = arith.select %lt3A_508, %broadcast_in_dim3A_45, %broadcast_in_dim3A_39 : vector<16xi1>, vector<16xf32>
    %jit3A_510 = arith.constant 16 : i32
    %div3A_511 = vector.broadcast %jit3A_510 : i32 to vector<16xi32>
    %div3A_512 = arith.divsi %gather3A_501, %div3A_511 : vector<16xi32>
    %sign3A_513 = arith.constant 0 : i32
    %sign3A_514 = vector.broadcast %sign3A_513 : i32 to vector<16xi32>
    %sign3A_515 = arith.cmpi sgt, %gather3A_501, %sign3A_514 : vector<16xi32>
    %sign3A_516 = arith.extui %sign3A_515 : vector<16xi1> to vector<16xi32>
    %sign3A_517 = arith.constant 0 : i32
    %sign3A_518 = vector.broadcast %sign3A_517 : i32 to vector<16xi32>
    %sign3A_519 = arith.cmpi slt, %gather3A_501, %sign3A_518 : vector<16xi32>
    %sign3A_520 = arith.extui %sign3A_519 : vector<16xi1> to vector<16xi32>
    %sign3A_521 = arith.subi %sign3A_516, %sign3A_520 : vector<16xi32>
    %sign3A_522 = arith.constant 0 : i32
    %sign3A_523 = arith.cmpi sgt, %jit3A_510, %sign3A_522 : i32
    %sign3A_524 = arith.extui %sign3A_523 : i1 to i32
    %sign3A_525 = arith.constant 0 : i32
    %sign3A_526 = arith.cmpi slt, %jit3A_510, %sign3A_525 : i32
    %sign3A_527 = arith.extui %sign3A_526 : i1 to i32
    %sign3A_528 = arith.subi %sign3A_524, %sign3A_527 : i32
    %ne3A_529 = vector.broadcast %sign3A_528 : i32 to vector<16xi32>
    %ne3A_530 = arith.cmpi ne, %sign3A_521, %ne3A_529 : vector<16xi32>
    %rem3A_531 = vector.broadcast %jit3A_510 : i32 to vector<16xi32>
    %rem3A_532 = arith.remsi %gather3A_501, %rem3A_531 : vector<16xi32>
    %ne3A_533 = arith.constant 0 : i32
    %ne3A_534 = vector.broadcast %ne3A_533 : i32 to vector<16xi32>
    %ne3A_535 = arith.cmpi ne, %rem3A_532, %ne3A_534 : vector<16xi32>
    %and3A_536 = arith.andi %ne3A_530, %ne3A_535 : vector<16xi1>
    %sub3A_537 = arith.constant 1 : i32
    %sub3A_538 = vector.broadcast %sub3A_537 : i32 to vector<16xi32>
    %sub3A_539 = arith.subi %div3A_512, %sub3A_538 : vector<16xi32>
    %select_n3A_540 = arith.select %and3A_536, %sub3A_539, %div3A_512 : vector<16xi1>, vector<16xi32>
    %mul3A_541 = arith.constant 14 : i32
    %mul3A_542 = vector.broadcast %mul3A_541 : i32 to vector<16xi32>
    %mul3A_543 = arith.muli %select_n3A_540, %mul3A_542 : vector<16xi32>
    %jit3A_544 = arith.constant 16 : i32
    %div3A_545 = vector.broadcast %jit3A_544 : i32 to vector<16xi32>
    %div3A_546 = arith.divsi %gather3A_505, %div3A_545 : vector<16xi32>
    %sign3A_547 = arith.constant 0 : i32
    %sign3A_548 = vector.broadcast %sign3A_547 : i32 to vector<16xi32>
    %sign3A_549 = arith.cmpi sgt, %gather3A_505, %sign3A_548 : vector<16xi32>
    %sign3A_550 = arith.extui %sign3A_549 : vector<16xi1> to vector<16xi32>
    %sign3A_551 = arith.constant 0 : i32
    %sign3A_552 = vector.broadcast %sign3A_551 : i32 to vector<16xi32>
    %sign3A_553 = arith.cmpi slt, %gather3A_505, %sign3A_552 : vector<16xi32>
    %sign3A_554 = arith.extui %sign3A_553 : vector<16xi1> to vector<16xi32>
    %sign3A_555 = arith.subi %sign3A_550, %sign3A_554 : vector<16xi32>
    %sign3A_556 = arith.constant 0 : i32
    %sign3A_557 = arith.cmpi sgt, %jit3A_544, %sign3A_556 : i32
    %sign3A_558 = arith.extui %sign3A_557 : i1 to i32
    %sign3A_559 = arith.constant 0 : i32
    %sign3A_560 = arith.cmpi slt, %jit3A_544, %sign3A_559 : i32
    %sign3A_561 = arith.extui %sign3A_560 : i1 to i32
    %sign3A_562 = arith.subi %sign3A_558, %sign3A_561 : i32
    %ne3A_563 = vector.broadcast %sign3A_562 : i32 to vector<16xi32>
    %ne3A_564 = arith.cmpi ne, %sign3A_555, %ne3A_563 : vector<16xi32>
    %rem3A_565 = vector.broadcast %jit3A_544 : i32 to vector<16xi32>
    %rem3A_566 = arith.remsi %gather3A_505, %rem3A_565 : vector<16xi32>
    %ne3A_567 = arith.constant 0 : i32
    %ne3A_568 = vector.broadcast %ne3A_567 : i32 to vector<16xi32>
    %ne3A_569 = arith.cmpi ne, %rem3A_566, %ne3A_568 : vector<16xi32>
    %and3A_570 = arith.andi %ne3A_564, %ne3A_569 : vector<16xi1>
    %sub3A_571 = arith.constant 1 : i32
    %sub3A_572 = vector.broadcast %sub3A_571 : i32 to vector<16xi32>
    %sub3A_573 = arith.subi %div3A_546, %sub3A_572 : vector<16xi32>
    %select_n3A_574 = arith.select %and3A_570, %sub3A_573, %div3A_546 : vector<16xi1>, vector<16xi32>
    %add3A_575 = arith.addi %mul3A_543, %select_n3A_574 : vector<16xi32>
    %swap3A_576 = arith.constant 80 : index
    %swap3A_577 = tpu.vector_load %arg10[%swap3A_576] {strides = array<i32>} : memref<112xi32, #tpu.memory_space<vmem>>, vector<16xi32>,
    tpu.vector_store %arg10[%swap3A_576], %add3A_575 {strides = array<i32>} : memref<112xi32, #tpu.memory_space<vmem>>, vector<16xi32>,
    %swap3A_578 = arith.constant 80 : index
    %swap3A_579 = tpu.vector_load %arg11[%swap3A_578] {strides = array<i32>} : memref<112xf32, #tpu.memory_space<vmem>>, vector<16xf32>,
    tpu.vector_store %arg11[%swap3A_578], %select_n3A_509 {strides = array<i32>} : memref<112xf32, #tpu.memory_space<vmem>>, vector<16xf32>,
    %add3A_580 = arith.constant 96 : i32
    %add3A_581 = vector.broadcast %add3A_580 : i32 to vector<16xi32>
    %add3A_582 = arith.addi %iota3A, %add3A_581 : vector<16xi32>
    %sub3A_583 = arith.constant 50 : i32
    %sub3A_584 = vector.broadcast %sub3A_583 : i32 to vector<16xi32>
    %sub3A_585 = arith.subi %add3A_582, %sub3A_584 : vector<16xi32>
    %mul3A_586 = arith.constant 2 : i32
    %mul3A_587 = vector.broadcast %mul3A_586 : i32 to vector<16xi32>
    %mul3A_588 = arith.muli %mul3A_587, %sub3A_585 : vector<16xi32>
    %min3A_589 = arith.constant 98 : i32
    %min3A_590 = vector.broadcast %min3A_589 : i32 to vector<16xi32>
    %min3A_591 = arith.minsi %mul3A_588, %min3A_590 : vector<16xi32>
    %gather3A_592 = tpu.vector_load_idx %arg9[%min3A_591] : memref<100xi32, #tpu.memory_space<vmem>>[vector<16xi32>], vector<16xi32>,
    %add3A_593 = arith.constant 1 : i32
    %add3A_594 = vector.broadcast %add3A_593 : i32 to vector<16xi32>
    %add3A_595 = arith.addi %min3A_591, %add3A_594 : vector<16xi32>
    %gather3A_596 = tpu.vector_load_idx %arg9[%add3A_595] : memref<100xi32, #tpu.memory_space<vmem>>[vector<16xi32>], vector<16xi32>,
    %lt3A_597 = arith.constant 100 : i32
    %lt3A_598 = vector.broadcast %lt3A_597 : i32 to vector<16xi32>
    %lt3A_599 = arith.cmpi slt, %add3A_582, %lt3A_598 : vector<16xi32>
    %select_n3A_600 = arith.select %lt3A_599, %broadcast_in_dim3A_45, %broadcast_in_dim3A_39 : vector<16xi1>, vector<16xf32>
    %jit3A_601 = arith.constant 16 : i32
    %div3A_602 = vector.broadcast %jit3A_601 : i32 to vector<16xi32>
    %div3A_603 = arith.divsi %gather3A_592, %div3A_602 : vector<16xi32>
    %sign3A_604 = arith.constant 0 : i32
    %sign3A_605 = vector.broadcast %sign3A_604 : i32 to vector<16xi32>
    %sign3A_606 = arith.cmpi sgt, %gather3A_592, %sign3A_605 : vector<16xi32>
    %sign3A_607 = arith.extui %sign3A_606 : vector<16xi1> to vector<16xi32>
    %sign3A_608 = arith.constant 0 : i32
    %sign3A_609 = vector.broadcast %sign3A_608 : i32 to vector<16xi32>
    %sign3A_610 = arith.cmpi slt, %gather3A_592, %sign3A_609 : vector<16xi32>
    %sign3A_611 = arith.extui %sign3A_610 : vector<16xi1> to vector<16xi32>
    %sign3A_612 = arith.subi %sign3A_607, %sign3A_611 : vector<16xi32>
    %sign3A_613 = arith.constant 0 : i32
    %sign3A_614 = arith.cmpi sgt, %jit3A_601, %sign3A_613 : i32
    %sign3A_615 = arith.extui %sign3A_614 : i1 to i32
    %sign3A_616 = arith.constant 0 : i32
    %sign3A_617 = arith.cmpi slt, %jit3A_601, %sign3A_616 : i32
    %sign3A_618 = arith.extui %sign3A_617 : i1 to i32
    %sign3A_619 = arith.subi %sign3A_615, %sign3A_618 : i32
    %ne3A_620 = vector.broadcast %sign3A_619 : i32 to vector<16xi32>
    %ne3A_621 = arith.cmpi ne, %sign3A_612, %ne3A_620 : vector<16xi32>
    %rem3A_622 = vector.broadcast %jit3A_601 : i32 to vector<16xi32>
    %rem3A_623 = arith.remsi %gather3A_592, %rem3A_622 : vector<16xi32>
    %ne3A_624 = arith.constant 0 : i32
    %ne3A_625 = vector.broadcast %ne3A_624 : i32 to vector<16xi32>
    %ne3A_626 = arith.cmpi ne, %rem3A_623, %ne3A_625 : vector<16xi32>
    %and3A_627 = arith.andi %ne3A_621, %ne3A_626 : vector<16xi1>
    %sub3A_628 = arith.constant 1 : i32
    %sub3A_629 = vector.broadcast %sub3A_628 : i32 to vector<16xi32>
    %sub3A_630 = arith.subi %div3A_603, %sub3A_629 : vector<16xi32>
    %select_n3A_631 = arith.select %and3A_627, %sub3A_630, %div3A_603 : vector<16xi1>, vector<16xi32>
    %mul3A_632 = arith.constant 14 : i32
    %mul3A_633 = vector.broadcast %mul3A_632 : i32 to vector<16xi32>
    %mul3A_634 = arith.muli %select_n3A_631, %mul3A_633 : vector<16xi32>
    %jit3A_635 = arith.constant 16 : i32
    %div3A_636 = vector.broadcast %jit3A_635 : i32 to vector<16xi32>
    %div3A_637 = arith.divsi %gather3A_596, %div3A_636 : vector<16xi32>
    %sign3A_638 = arith.constant 0 : i32
    %sign3A_639 = vector.broadcast %sign3A_638 : i32 to vector<16xi32>
    %sign3A_640 = arith.cmpi sgt, %gather3A_596, %sign3A_639 : vector<16xi32>
    %sign3A_641 = arith.extui %sign3A_640 : vector<16xi1> to vector<16xi32>
    %sign3A_642 = arith.constant 0 : i32
    %sign3A_643 = vector.broadcast %sign3A_642 : i32 to vector<16xi32>
    %sign3A_644 = arith.cmpi slt, %gather3A_596, %sign3A_643 : vector<16xi32>
    %sign3A_645 = arith.extui %sign3A_644 : vector<16xi1> to vector<16xi32>
    %sign3A_646 = arith.subi %sign3A_641, %sign3A_645 : vector<16xi32>
    %sign3A_647 = arith.constant 0 : i32
    %sign3A_648 = arith.cmpi sgt, %jit3A_635, %sign3A_647 : i32
    %sign3A_649 = arith.extui %sign3A_648 : i1 to i32
    %sign3A_650 = arith.constant 0 : i32
    %sign3A_651 = arith.cmpi slt, %jit3A_635, %sign3A_650 : i32
    %sign3A_652 = arith.extui %sign3A_651 : i1 to i32
    %sign3A_653 = arith.subi %sign3A_649, %sign3A_652 : i32
    %ne3A_654 = vector.broadcast %sign3A_653 : i32 to vector<16xi32>
    %ne3A_655 = arith.cmpi ne, %sign3A_646, %ne3A_654 : vector<16xi32>
    %rem3A_656 = vector.broadcast %jit3A_635 : i32 to vector<16xi32>
    %rem3A_657 = arith.remsi %gather3A_596, %rem3A_656 : vector<16xi32>
    %ne3A_658 = arith.constant 0 : i32
    %ne3A_659 = vector.broadcast %ne3A_658 : i32 to vector<16xi32>
    %ne3A_660 = arith.cmpi ne, %rem3A_657, %ne3A_659 : vector<16xi32>
    %and3A_661 = arith.andi %ne3A_655, %ne3A_660 : vector<16xi1>
    %sub3A_662 = arith.constant 1 : i32
    %sub3A_663 = vector.broadcast %sub3A_662 : i32 to vector<16xi32>
    %sub3A_664 = arith.subi %div3A_637, %sub3A_663 : vector<16xi32>
    %select_n3A_665 = arith.select %and3A_661, %sub3A_664, %div3A_637 : vector<16xi1>, vector<16xi32>
    %add3A_666 = arith.addi %mul3A_634, %select_n3A_665 : vector<16xi32>
    %swap3A_667 = arith.constant 96 : index
    %swap3A_668 = tpu.vector_load %arg10[%swap3A_667] {strides = array<i32>} : memref<112xi32, #tpu.memory_space<vmem>>, vector<16xi32>,
    tpu.vector_store %arg10[%swap3A_667], %add3A_666 {strides = array<i32>} : memref<112xi32, #tpu.memory_space<vmem>>, vector<16xi32>,
    %swap3A_669 = arith.constant 96 : index
    %swap3A_670 = tpu.vector_load %arg11[%swap3A_669] {strides = array<i32>} : memref<112xf32, #tpu.memory_space<vmem>>, vector<16xf32>,
    tpu.vector_store %arg11[%swap3A_669], %select_n3A_600 {strides = array<i32>} : memref<112xf32, #tpu.memory_space<vmem>>, vector<16xf32>,
    %dma_wait3A = arith.constant 0 : i32
    %dma_wait3A_671 = tpu.memref_slice %arg2[%add3A_35, %dma_wait3A] : memref<1536x196xf32, #tpu.memory_space<hbm>> -> memref<48x196xf32, #tpu.memory_space<hbm>>
    %dma_wait3A_672 = arith.constant 0 : i32
    %dma_wait3A_673 = tpu.memref_slice %arg2[%add3A_35, %dma_wait3A_672] : memref<1536x196xf32, #tpu.memory_space<hbm>> -> memref<48x196xf32, #tpu.memory_space<hbm>>
    tpu.wait_dma2 semaphore(%arg19 : memref<!tpu.dma_semaphore, #tpu.memory_space<semaphore_mem>>) src(%dma_wait3A_673 : memref<48x196xf32, #tpu.memory_space<hbm>>) dst(%arg7 : memref<48x196xf32, #tpu.memory_space<vmem>>)
    %add3A_674 = arith.constant 0 : i32
    %add3A_675 = vector.broadcast %add3A_674 : i32 to vector<16xi32>
    %add3A_676 = arith.addi %iota3A, %add3A_675 : vector<16xi32>
    %add3A_677 = arith.constant 16 : i32
    %add3A_678 = vector.broadcast %add3A_677 : i32 to vector<16xi32>
    %add3A_679 = arith.addi %iota3A, %add3A_678 : vector<16xi32>
    %add3A_680 = arith.constant 32 : i32
    %add3A_681 = vector.broadcast %add3A_680 : i32 to vector<16xi32>
    %add3A_682 = arith.addi %iota3A, %add3A_681 : vector<16xi32>
    %scan3A = arith.constant 0 : i32
    %scan3A_683 = arith.constant 100 : i32
    %scan3A_684 = arith.addi %scan3A, %scan3A_683 : i32
    %scan3A_685 = arith.constant 1 : i32
    %scan3A_686:3 = scf.for %scan3A_840 = %scan3A to %scan3A_684 step %scan3A_685 iter_args(%scan3A_841 = %broadcast_in_dim3A_39, %scan3A_842 = %broadcast_in_dim3A_39, %scan3A_843 = %broadcast_in_dim3A_39) -> (vector<16xf32>, vector<16xf32>, vector<16xf32>)  : i32 {
      %broadcast_in_dim3A_844 = vector.broadcast %scan3A_840 : i32 to vector<16xi32>
      %gather3A_845 = tpu.vector_load_idx %arg10[%broadcast_in_dim3A_844] : memref<112xi32, #tpu.memory_space<vmem>>[vector<16xi32>], vector<16xi32>,
      %gather3A_846 = tpu.vector_load_idx %arg11[%broadcast_in_dim3A_844] : memref<112xf32, #tpu.memory_space<vmem>>[vector<16xi32>], vector<16xf32>,
      %gather3A_847 = tpu.vector_load_idx %arg7[%add3A_676, %gather3A_845] : memref<48x196xf32, #tpu.memory_space<vmem>>[vector<16xi32>, vector<16xi32>], vector<16xf32>,
      %mul3A_848 = arith.mulf %gather3A_846, %gather3A_847 : vector<16xf32>
      %add3A_849 = arith.addf %scan3A_841, %mul3A_848 : vector<16xf32>
      %gather3A_850 = tpu.vector_load_idx %arg7[%add3A_679, %gather3A_845] : memref<48x196xf32, #tpu.memory_space<vmem>>[vector<16xi32>, vector<16xi32>], vector<16xf32>,
      %mul3A_851 = arith.mulf %gather3A_846, %gather3A_850 : vector<16xf32>
      %add3A_852 = arith.addf %scan3A_842, %mul3A_851 : vector<16xf32>
      %gather3A_853 = tpu.vector_load_idx %arg7[%add3A_682, %gather3A_845] : memref<48x196xf32, #tpu.memory_space<vmem>>[vector<16xi32>, vector<16xi32>], vector<16xf32>,
      %mul3A_854 = arith.mulf %gather3A_846, %gather3A_853 : vector<16xf32>
      %add3A_855 = arith.addf %scan3A_843, %mul3A_854 : vector<16xf32>
      scf.yield %add3A_849, %add3A_852, %add3A_855 : vector<16xf32>, vector<16xf32>, vector<16xf32>
    }
    %scan3A_687 = arith.constant 100 : i32
    %swap3A_688 = arith.constant 0 : index
    %swap3A_689 = tpu.vector_load %arg12[%swap3A_688] {strides = array<i32>} : memref<48xf32, #tpu.memory_space<vmem>>, vector<16xf32>,
    tpu.vector_store %arg12[%swap3A_688], %scan3A_686#0 {strides = array<i32>} : memref<48xf32, #tpu.memory_space<vmem>>, vector<16xf32>,
    %swap3A_690 = arith.constant 16 : index
    %swap3A_691 = tpu.vector_load %arg12[%swap3A_690] {strides = array<i32>} : memref<48xf32, #tpu.memory_space<vmem>>, vector<16xf32>,
    tpu.vector_store %arg12[%swap3A_690], %scan3A_686#1 {strides = array<i32>} : memref<48xf32, #tpu.memory_space<vmem>>, vector<16xf32>,
    %swap3A_692 = arith.constant 32 : index
    %swap3A_693 = tpu.vector_load %arg12[%swap3A_692] {strides = array<i32>} : memref<48xf32, #tpu.memory_space<vmem>>, vector<16xf32>,
    tpu.vector_store %arg12[%swap3A_692], %scan3A_686#2 {strides = array<i32>} : memref<48xf32, #tpu.memory_space<vmem>>, vector<16xf32>,
    %mul3A_694 = arith.constant 384 : i32
    %mul3A_695 = arith.muli %select_n3A, %mul3A_694 : i32
    %mul3A_696 = arith.constant 48 : i32
    %mul3A_697 = arith.muli %select_n3A_28, %mul3A_696 : i32
    %add3A_698 = arith.addi %mul3A_695, %mul3A_697 : i32
    "tpu.region"() ({
      %run_scoped3A = tpu.sem_alloc : memref<!tpu.dma_semaphore, #tpu.memory_space<semaphore_mem>>
      %dma_start3A_840 = tpu.memref_slice %arg17[%add3A_698] : memref<768xf32, #tpu.memory_space<vmem_shared>> -> memref<48xf32, #tpu.memory_space<vmem_shared>>
      %dma_start3A_841 = tpu.memref_slice %arg17[%add3A_698] : memref<768xf32, #tpu.memory_space<vmem_shared>> -> memref<48xf32, #tpu.memory_space<vmem_shared>>
      tpu.enqueue_dma source(%arg12 : memref<48xf32, #tpu.memory_space<vmem>>) target(%dma_start3A_841 : memref<48xf32, #tpu.memory_space<vmem_shared>>) target_semaphore(%run_scoped3A : memref<!tpu.dma_semaphore, #tpu.memory_space<semaphore_mem>>)
      %dma_wait3A_842 = tpu.memref_slice %arg17[%add3A_698] : memref<768xf32, #tpu.memory_space<vmem_shared>> -> memref<48xf32, #tpu.memory_space<vmem_shared>>
      %dma_wait3A_843 = tpu.memref_slice %arg17[%add3A_698] : memref<768xf32, #tpu.memory_space<vmem_shared>> -> memref<48xf32, #tpu.memory_space<vmem_shared>>
      tpu.wait_dma2 semaphore(%run_scoped3A : memref<!tpu.dma_semaphore, #tpu.memory_space<semaphore_mem>>) src(%arg12 : memref<48xf32, #tpu.memory_space<vmem>>) dst(%dma_wait3A_843 : memref<48xf32, #tpu.memory_space<vmem_shared>>)
      tpu.yield
    }) : () -> ()
    %barrier3A = arith.constant 0 : index
    tpu.barrier barrier_id(%barrier3A)
    %mul3A_699 = arith.constant 384 : i32
    %mul3A_700 = arith.muli %select_n3A, %mul3A_699 : i32
    "tpu.region"() ({
      %run_scoped3A = tpu.sem_alloc : memref<!tpu.dma_semaphore, #tpu.memory_space<semaphore_mem>>
      %dma_start3A_840 = tpu.memref_slice %arg17[%mul3A_700] : memref<768xf32, #tpu.memory_space<vmem_shared>> -> memref<384xf32, #tpu.memory_space<vmem_shared>>
      %dma_start3A_841 = tpu.memref_slice %arg17[%mul3A_700] : memref<768xf32, #tpu.memory_space<vmem_shared>> -> memref<384xf32, #tpu.memory_space<vmem_shared>>
      tpu.enqueue_dma source(%dma_start3A_841 : memref<384xf32, #tpu.memory_space<vmem_shared>>) target(%arg13 : memref<384xf32, #tpu.memory_space<vmem>>) target_semaphore(%run_scoped3A : memref<!tpu.dma_semaphore, #tpu.memory_space<semaphore_mem>>)
      %dma_wait3A_842 = tpu.memref_slice %arg17[%mul3A_700] : memref<768xf32, #tpu.memory_space<vmem_shared>> -> memref<384xf32, #tpu.memory_space<vmem_shared>>
      %dma_wait3A_843 = tpu.memref_slice %arg17[%mul3A_700] : memref<768xf32, #tpu.memory_space<vmem_shared>> -> memref<384xf32, #tpu.memory_space<vmem_shared>>
      tpu.wait_dma2 semaphore(%run_scoped3A : memref<!tpu.dma_semaphore, #tpu.memory_space<semaphore_mem>>) src(%dma_wait3A_843 : memref<384xf32, #tpu.memory_space<vmem_shared>>) dst(%arg13 : memref<384xf32, #tpu.memory_space<vmem>>)
      tpu.yield
    }) : () -> ()
    %mul3A_701 = arith.constant 48 : i32
    %mul3A_702 = arith.muli %select_n3A_28, %mul3A_701 : i32
    %add3A_703 = vector.broadcast %mul3A_702 : i32 to vector<16xi32>
    %add3A_704 = arith.addi %iota3A, %add3A_703 : vector<16xi32>
    %add3A_705 = arith.constant 0 : i32
    %add3A_706 = vector.broadcast %add3A_705 : i32 to vector<16xi32>
    %add3A_707 = arith.addi %add3A_704, %add3A_706 : vector<16xi32>
    %mul3A_708 = arith.constant 48 : i32
    %mul3A_709 = arith.muli %select_n3A_28, %mul3A_708 : i32
    %add3A_710 = vector.broadcast %mul3A_709 : i32 to vector<16xi32>
    %add3A_711 = arith.addi %iota3A, %add3A_710 : vector<16xi32>
    %add3A_712 = arith.constant 16 : i32
    %add3A_713 = vector.broadcast %add3A_712 : i32 to vector<16xi32>
    %add3A_714 = arith.addi %add3A_711, %add3A_713 : vector<16xi32>
    %mul3A_715 = arith.constant 48 : i32
    %mul3A_716 = arith.muli %select_n3A_28, %mul3A_715 : i32
    %add3A_717 = vector.broadcast %mul3A_716 : i32 to vector<16xi32>
    %add3A_718 = arith.addi %iota3A, %add3A_717 : vector<16xi32>
    %add3A_719 = arith.constant 32 : i32
    %add3A_720 = vector.broadcast %add3A_719 : i32 to vector<16xi32>
    %add3A_721 = arith.addi %add3A_718, %add3A_720 : vector<16xi32>
    %scan3A_722 = arith.constant 0 : i32
    %scan3A_723 = arith.constant 384 : i32
    %scan3A_724 = arith.addi %scan3A_722, %scan3A_723 : i32
    %scan3A_725 = arith.constant 1 : i32
    %scan3A_726:3 = scf.for %scan3A_840 = %scan3A_722 to %scan3A_724 step %scan3A_725 iter_args(%scan3A_841 = %broadcast_in_dim3A_41, %scan3A_842 = %broadcast_in_dim3A_41, %scan3A_843 = %broadcast_in_dim3A_41) -> (vector<16xi32>, vector<16xi32>, vector<16xi32>)  : i32 {
      %broadcast_in_dim3A_844 = vector.broadcast %scan3A_840 : i32 to vector<16xi32>
      %gather3A_845 = tpu.vector_load_idx %arg13[%broadcast_in_dim3A_844] : memref<384xf32, #tpu.memory_space<vmem>>[vector<16xi32>], vector<16xf32>,
      %eq3A_846 = arith.cmpf oeq, %gather3A_845, %scan3A_686#0 : vector<16xf32>
      %lt3A_847 = arith.cmpi slt, %broadcast_in_dim3A_844, %add3A_707 : vector<16xi32>
      %lt3A_848 = arith.cmpf olt, %gather3A_845, %scan3A_686#0 : vector<16xf32>
      %select_n3A_849 = arith.select %eq3A_846, %lt3A_847, %lt3A_848 : vector<16xi1>, vector<16xi1>
      %convert_element_type3A_850 = arith.extui %select_n3A_849 : vector<16xi1> to vector<16xi32>
      %add3A_851 = arith.addi %scan3A_841, %convert_element_type3A_850 : vector<16xi32>
      %eq3A_852 = arith.cmpf oeq, %gather3A_845, %scan3A_686#1 : vector<16xf32>
      %lt3A_853 = arith.cmpi slt, %broadcast_in_dim3A_844, %add3A_714 : vector<16xi32>
      %lt3A_854 = arith.cmpf olt, %gather3A_845, %scan3A_686#1 : vector<16xf32>
      %select_n3A_855 = arith.select %eq3A_852, %lt3A_853, %lt3A_854 : vector<16xi1>, vector<16xi1>
      %convert_element_type3A_856 = arith.extui %select_n3A_855 : vector<16xi1> to vector<16xi32>
      %add3A_857 = arith.addi %scan3A_842, %convert_element_type3A_856 : vector<16xi32>
      %eq3A_858 = arith.cmpf oeq, %gather3A_845, %scan3A_686#2 : vector<16xf32>
      %lt3A_859 = arith.cmpi slt, %broadcast_in_dim3A_844, %add3A_721 : vector<16xi32>
      %lt3A_860 = arith.cmpf olt, %gather3A_845, %scan3A_686#2 : vector<16xf32>
      %select_n3A_861 = arith.select %eq3A_858, %lt3A_859, %lt3A_860 : vector<16xi1>, vector<16xi1>
      %convert_element_type3A_862 = arith.extui %select_n3A_861 : vector<16xi1> to vector<16xi32>
      %add3A_863 = arith.addi %scan3A_843, %convert_element_type3A_862 : vector<16xi32>
      scf.yield %add3A_851, %add3A_857, %add3A_863 : vector<16xi32>, vector<16xi32>, vector<16xi32>
    }
    %scan3A_727 = arith.constant 384 : i32
    %ge3A = arith.constant 192 : i32
    %ge3A_728 = vector.broadcast %ge3A : i32 to vector<16xi32>
    %ge3A_729 = arith.cmpi sge, %scan3A_726#0, %ge3A_728 : vector<16xi32>
    %jit3A_730 = arith.constant 1.000000e+00 : f32
    %jit3A_731 = arith.constant 0.000000e+00 : f32
    %broadcast_in_dim3A_732 = vector.broadcast %jit3A_730 : f32 to vector<16xf32>
    %broadcast_in_dim3A_733 = vector.broadcast %jit3A_731 : f32 to vector<16xf32>
    %select_n3A_734 = arith.select %ge3A_729, %broadcast_in_dim3A_732, %broadcast_in_dim3A_733 : vector<16xi1>, vector<16xf32>
    %swap3A_735 = arith.constant 0 : index
    %swap3A_736 = tpu.vector_load %arg14[%swap3A_735] {strides = array<i32>} : memref<48xf32, #tpu.memory_space<vmem>>, vector<16xf32>,
    tpu.vector_store %arg14[%swap3A_735], %select_n3A_734 {strides = array<i32>} : memref<48xf32, #tpu.memory_space<vmem>>, vector<16xf32>,
    %ge3A_737 = arith.constant 192 : i32
    %ge3A_738 = vector.broadcast %ge3A_737 : i32 to vector<16xi32>
    %ge3A_739 = arith.cmpi sge, %scan3A_726#1, %ge3A_738 : vector<16xi32>
    %jit3A_740 = arith.constant 1.000000e+00 : f32
    %jit3A_741 = arith.constant 0.000000e+00 : f32
    %broadcast_in_dim3A_742 = vector.broadcast %jit3A_740 : f32 to vector<16xf32>
    %broadcast_in_dim3A_743 = vector.broadcast %jit3A_741 : f32 to vector<16xf32>
    %select_n3A_744 = arith.select %ge3A_739, %broadcast_in_dim3A_742, %broadcast_in_dim3A_743 : vector<16xi1>, vector<16xf32>
    %swap3A_745 = arith.constant 16 : index
    %swap3A_746 = tpu.vector_load %arg14[%swap3A_745] {strides = array<i32>} : memref<48xf32, #tpu.memory_space<vmem>>, vector<16xf32>,
    tpu.vector_store %arg14[%swap3A_745], %select_n3A_744 {strides = array<i32>} : memref<48xf32, #tpu.memory_space<vmem>>, vector<16xf32>,
    %ge3A_747 = arith.constant 192 : i32
    %ge3A_748 = vector.broadcast %ge3A_747 : i32 to vector<16xi32>
    %ge3A_749 = arith.cmpi sge, %scan3A_726#2, %ge3A_748 : vector<16xi32>
    %jit3A_750 = arith.constant 1.000000e+00 : f32
    %jit3A_751 = arith.constant 0.000000e+00 : f32
    %broadcast_in_dim3A_752 = vector.broadcast %jit3A_750 : f32 to vector<16xf32>
    %broadcast_in_dim3A_753 = vector.broadcast %jit3A_751 : f32 to vector<16xf32>
    %select_n3A_754 = arith.select %ge3A_749, %broadcast_in_dim3A_752, %broadcast_in_dim3A_753 : vector<16xi1>, vector<16xf32>
    %swap3A_755 = arith.constant 32 : index
    %swap3A_756 = tpu.vector_load %arg14[%swap3A_755] {strides = array<i32>} : memref<48xf32, #tpu.memory_space<vmem>>, vector<16xf32>,
    tpu.vector_store %arg14[%swap3A_755], %select_n3A_754 {strides = array<i32>} : memref<48xf32, #tpu.memory_space<vmem>>, vector<16xf32>,
    %scan3A_757 = arith.constant 0 : i32
    %scan3A_758 = arith.constant 0 : i32
    %scan3A_759 = arith.constant 48 : i32
    %scan3A_760 = arith.addi %scan3A_758, %scan3A_759 : i32
    %scan3A_761 = arith.constant 1 : i32
    %scan3A_762 = scf.for %scan3A_840 = %scan3A_758 to %scan3A_760 step %scan3A_761 iter_args(%scan3A_841 = %scan3A_757) -> (i32)  : i32 {
      %broadcast_in_dim3A_842 = vector.broadcast %scan3A_840 : i32 to vector<16xi32>
      %gather3A_843 = tpu.vector_load_idx %arg14[%broadcast_in_dim3A_842] : memref<48xf32, #tpu.memory_space<vmem>>[vector<16xi32>], vector<16xf32>,
      %get3A = arith.index_cast %scan3A_840 : i32 to index
      %get3A_844 = arith.constant 0 : index
      %get3A_845 = tpu.vector_load %arg7[%get3A, %get3A_844] {strides = array<i32>} : memref<48x196xf32, #tpu.memory_space<vmem>>, vector<16xf32>,
      %mul3A_846 = arith.mulf %get3A_845, %gather3A_843 : vector<16xf32>
      %swap3A_847 = arith.index_cast %scan3A_840 : i32 to index
      %swap3A_848 = arith.constant 0 : index
      %swap3A_849 = tpu.vector_load %arg7[%swap3A_847, %swap3A_848] {strides = array<i32>} : memref<48x196xf32, #tpu.memory_space<vmem>>, vector<16xf32>,
      tpu.vector_store %arg7[%swap3A_847, %swap3A_848], %mul3A_846 {strides = array<i32>} : memref<48x196xf32, #tpu.memory_space<vmem>>, vector<16xf32>,
      %get3A_850 = arith.index_cast %scan3A_840 : i32 to index
      %get3A_851 = arith.constant 16 : index
      %get3A_852 = tpu.vector_load %arg7[%get3A_850, %get3A_851] {strides = array<i32>} : memref<48x196xf32, #tpu.memory_space<vmem>>, vector<16xf32>,
      %mul3A_853 = arith.mulf %get3A_852, %gather3A_843 : vector<16xf32>
      %swap3A_854 = arith.index_cast %scan3A_840 : i32 to index
      %swap3A_855 = arith.constant 16 : index
      %swap3A_856 = tpu.vector_load %arg7[%swap3A_854, %swap3A_855] {strides = array<i32>} : memref<48x196xf32, #tpu.memory_space<vmem>>, vector<16xf32>,
      tpu.vector_store %arg7[%swap3A_854, %swap3A_855], %mul3A_853 {strides = array<i32>} : memref<48x196xf32, #tpu.memory_space<vmem>>, vector<16xf32>,
      %get3A_857 = arith.index_cast %scan3A_840 : i32 to index
      %get3A_858 = arith.constant 32 : index
      %get3A_859 = tpu.vector_load %arg7[%get3A_857, %get3A_858] {strides = array<i32>} : memref<48x196xf32, #tpu.memory_space<vmem>>, vector<16xf32>,
      %mul3A_860 = arith.mulf %get3A_859, %gather3A_843 : vector<16xf32>
      %swap3A_861 = arith.index_cast %scan3A_840 : i32 to index
      %swap3A_862 = arith.constant 32 : index
      %swap3A_863 = tpu.vector_load %arg7[%swap3A_861, %swap3A_862] {strides = array<i32>} : memref<48x196xf32, #tpu.memory_space<vmem>>, vector<16xf32>,
      tpu.vector_store %arg7[%swap3A_861, %swap3A_862], %mul3A_860 {strides = array<i32>} : memref<48x196xf32, #tpu.memory_space<vmem>>, vector<16xf32>,
      %get3A_864 = arith.index_cast %scan3A_840 : i32 to index
      %get3A_865 = arith.constant 48 : index
      %get3A_866 = tpu.vector_load %arg7[%get3A_864, %get3A_865] {strides = array<i32>} : memref<48x196xf32, #tpu.memory_space<vmem>>, vector<16xf32>,
      %mul3A_867 = arith.mulf %get3A_866, %gather3A_843 : vector<16xf32>
      %swap3A_868 = arith.index_cast %scan3A_840 : i32 to index
      %swap3A_869 = arith.constant 48 : index
      %swap3A_870 = tpu.vector_load %arg7[%swap3A_868, %swap3A_869] {strides = array<i32>} : memref<48x196xf32, #tpu.memory_space<vmem>>, vector<16xf32>,
      tpu.vector_store %arg7[%swap3A_868, %swap3A_869], %mul3A_867 {strides = array<i32>} : memref<48x196xf32, #tpu.memory_space<vmem>>, vector<16xf32>,
      %get3A_871 = arith.index_cast %scan3A_840 : i32 to index
      %get3A_872 = arith.constant 64 : index
      %get3A_873 = tpu.vector_load %arg7[%get3A_871, %get3A_872] {strides = array<i32>} : memref<48x196xf32, #tpu.memory_space<vmem>>, vector<16xf32>,
      %mul3A_874 = arith.mulf %get3A_873, %gather3A_843 : vector<16xf32>
      %swap3A_875 = arith.index_cast %scan3A_840 : i32 to index
      %swap3A_876 = arith.constant 64 : index
      %swap3A_877 = tpu.vector_load %arg7[%swap3A_875, %swap3A_876] {strides = array<i32>} : memref<48x196xf32, #tpu.memory_space<vmem>>, vector<16xf32>,
      tpu.vector_store %arg7[%swap3A_875, %swap3A_876], %mul3A_874 {strides = array<i32>} : memref<48x196xf32, #tpu.memory_space<vmem>>, vector<16xf32>,
      %get3A_878 = arith.index_cast %scan3A_840 : i32 to index
      %get3A_879 = arith.constant 80 : index
      %get3A_880 = tpu.vector_load %arg7[%get3A_878, %get3A_879] {strides = array<i32>} : memref<48x196xf32, #tpu.memory_space<vmem>>, vector<16xf32>,
      %mul3A_881 = arith.mulf %get3A_880, %gather3A_843 : vector<16xf32>
      %swap3A_882 = arith.index_cast %scan3A_840 : i32 to index
      %swap3A_883 = arith.constant 80 : index
      %swap3A_884 = tpu.vector_load %arg7[%swap3A_882, %swap3A_883] {strides = array<i32>} : memref<48x196xf32, #tpu.memory_space<vmem>>, vector<16xf32>,
      tpu.vector_store %arg7[%swap3A_882, %swap3A_883], %mul3A_881 {strides = array<i32>} : memref<48x196xf32, #tpu.memory_space<vmem>>, vector<16xf32>,
      %get3A_885 = arith.index_cast %scan3A_840 : i32 to index
      %get3A_886 = arith.constant 96 : index
      %get3A_887 = tpu.vector_load %arg7[%get3A_885, %get3A_886] {strides = array<i32>} : memref<48x196xf32, #tpu.memory_space<vmem>>, vector<16xf32>,
      %mul3A_888 = arith.mulf %get3A_887, %gather3A_843 : vector<16xf32>
      %swap3A_889 = arith.index_cast %scan3A_840 : i32 to index
      %swap3A_890 = arith.constant 96 : index
      %swap3A_891 = tpu.vector_load %arg7[%swap3A_889, %swap3A_890] {strides = array<i32>} : memref<48x196xf32, #tpu.memory_space<vmem>>, vector<16xf32>,
      tpu.vector_store %arg7[%swap3A_889, %swap3A_890], %mul3A_888 {strides = array<i32>} : memref<48x196xf32, #tpu.memory_space<vmem>>, vector<16xf32>,
      %get3A_892 = arith.index_cast %scan3A_840 : i32 to index
      %get3A_893 = arith.constant 112 : index
      %get3A_894 = tpu.vector_load %arg7[%get3A_892, %get3A_893] {strides = array<i32>} : memref<48x196xf32, #tpu.memory_space<vmem>>, vector<16xf32>,
      %mul3A_895 = arith.mulf %get3A_894, %gather3A_843 : vector<16xf32>
      %swap3A_896 = arith.index_cast %scan3A_840 : i32 to index
      %swap3A_897 = arith.constant 112 : index
      %swap3A_898 = tpu.vector_load %arg7[%swap3A_896, %swap3A_897] {strides = array<i32>} : memref<48x196xf32, #tpu.memory_space<vmem>>, vector<16xf32>,
      tpu.vector_store %arg7[%swap3A_896, %swap3A_897], %mul3A_895 {strides = array<i32>} : memref<48x196xf32, #tpu.memory_space<vmem>>, vector<16xf32>,
      %get3A_899 = arith.index_cast %scan3A_840 : i32 to index
      %get3A_900 = arith.constant 128 : index
      %get3A_901 = tpu.vector_load %arg7[%get3A_899, %get3A_900] {strides = array<i32>} : memref<48x196xf32, #tpu.memory_space<vmem>>, vector<16xf32>,
      %mul3A_902 = arith.mulf %get3A_901, %gather3A_843 : vector<16xf32>
      %swap3A_903 = arith.index_cast %scan3A_840 : i32 to index
      %swap3A_904 = arith.constant 128 : index
      %swap3A_905 = tpu.vector_load %arg7[%swap3A_903, %swap3A_904] {strides = array<i32>} : memref<48x196xf32, #tpu.memory_space<vmem>>, vector<16xf32>,
      tpu.vector_store %arg7[%swap3A_903, %swap3A_904], %mul3A_902 {strides = array<i32>} : memref<48x196xf32, #tpu.memory_space<vmem>>, vector<16xf32>,
      %get3A_906 = arith.index_cast %scan3A_840 : i32 to index
      %get3A_907 = arith.constant 144 : index
      %get3A_908 = tpu.vector_load %arg7[%get3A_906, %get3A_907] {strides = array<i32>} : memref<48x196xf32, #tpu.memory_space<vmem>>, vector<16xf32>,
      %mul3A_909 = arith.mulf %get3A_908, %gather3A_843 : vector<16xf32>
      %swap3A_910 = arith.index_cast %scan3A_840 : i32 to index
      %swap3A_911 = arith.constant 144 : index
      %swap3A_912 = tpu.vector_load %arg7[%swap3A_910, %swap3A_911] {strides = array<i32>} : memref<48x196xf32, #tpu.memory_space<vmem>>, vector<16xf32>,
      tpu.vector_store %arg7[%swap3A_910, %swap3A_911], %mul3A_909 {strides = array<i32>} : memref<48x196xf32, #tpu.memory_space<vmem>>, vector<16xf32>,
      %get3A_913 = arith.index_cast %scan3A_840 : i32 to index
      %get3A_914 = arith.constant 160 : index
      %get3A_915 = tpu.vector_load %arg7[%get3A_913, %get3A_914] {strides = array<i32>} : memref<48x196xf32, #tpu.memory_space<vmem>>, vector<16xf32>,
      %mul3A_916 = arith.mulf %get3A_915, %gather3A_843 : vector<16xf32>
      %swap3A_917 = arith.index_cast %scan3A_840 : i32 to index
      %swap3A_918 = arith.constant 160 : index
      %swap3A_919 = tpu.vector_load %arg7[%swap3A_917, %swap3A_918] {strides = array<i32>} : memref<48x196xf32, #tpu.memory_space<vmem>>, vector<16xf32>,
      tpu.vector_store %arg7[%swap3A_917, %swap3A_918], %mul3A_916 {strides = array<i32>} : memref<48x196xf32, #tpu.memory_space<vmem>>, vector<16xf32>,
      %get3A_920 = arith.index_cast %scan3A_840 : i32 to index
      %get3A_921 = arith.constant 176 : index
      %get3A_922 = tpu.vector_load %arg7[%get3A_920, %get3A_921] {strides = array<i32>} : memref<48x196xf32, #tpu.memory_space<vmem>>, vector<16xf32>,
      %mul3A_923 = arith.mulf %get3A_922, %gather3A_843 : vector<16xf32>
      %swap3A_924 = arith.index_cast %scan3A_840 : i32 to index
      %swap3A_925 = arith.constant 176 : index
      %swap3A_926 = tpu.vector_load %arg7[%swap3A_924, %swap3A_925] {strides = array<i32>} : memref<48x196xf32, #tpu.memory_space<vmem>>, vector<16xf32>,
      tpu.vector_store %arg7[%swap3A_924, %swap3A_925], %mul3A_923 {strides = array<i32>} : memref<48x196xf32, #tpu.memory_space<vmem>>, vector<16xf32>,
      %get3A_927 = arith.index_cast %scan3A_840 : i32 to index
      %get3A_928 = arith.constant 180 : index
      %get3A_929 = tpu.vector_load %arg7[%get3A_927, %get3A_928] {strides = array<i32>} : memref<48x196xf32, #tpu.memory_space<vmem>>, vector<16xf32>,
      %mul3A_930 = arith.mulf %get3A_929, %gather3A_843 : vector<16xf32>
      %swap3A_931 = arith.index_cast %scan3A_840 : i32 to index
      %swap3A_932 = arith.constant 180 : index
      %swap3A_933 = tpu.vector_load %arg7[%swap3A_931, %swap3A_932] {strides = array<i32>} : memref<48x196xf32, #tpu.memory_space<vmem>>, vector<16xf32>,
      tpu.vector_store %arg7[%swap3A_931, %swap3A_932], %mul3A_930 {strides = array<i32>} : memref<48x196xf32, #tpu.memory_space<vmem>>, vector<16xf32>,
      %scan3A_934 = arith.constant 0 : i32
      scf.yield %scan3A_934 : i32
    }
    %scan3A_763 = arith.constant 48 : i32
    %dma_start3A_764 = arith.constant 0 : i32
    %dma_start3A_765 = tpu.memref_slice %arg5[%add3A_35, %dma_start3A_764] : memref<1536x196xf32, #tpu.memory_space<hbm>> -> memref<48x196xf32, #tpu.memory_space<hbm>>
    %dma_start3A_766 = arith.constant 0 : i32
    %dma_start3A_767 = tpu.memref_slice %arg5[%add3A_35, %dma_start3A_766] : memref<1536x196xf32, #tpu.memory_space<hbm>> -> memref<48x196xf32, #tpu.memory_space<hbm>>
    tpu.enqueue_dma source(%arg7 : memref<48x196xf32, #tpu.memory_space<vmem>>) target(%dma_start3A_767 : memref<48x196xf32, #tpu.memory_space<hbm>>) target_semaphore(%arg19 : memref<!tpu.dma_semaphore, #tpu.memory_space<semaphore_mem>>)
    %swap3A_768 = arith.constant 0 : index
    %swap3A_769 = tpu.vector_load %arg15[%swap3A_768] {strides = array<i32>} : memref<256xi32, #tpu.memory_space<vmem>>, vector<16xi32>,
    tpu.vector_store %arg15[%swap3A_768], %broadcast_in_dim3A_41 {strides = array<i32>} : memref<256xi32, #tpu.memory_space<vmem>>, vector<16xi32>,
    %swap3A_770 = arith.constant 16 : index
    %swap3A_771 = tpu.vector_load %arg15[%swap3A_770] {strides = array<i32>} : memref<256xi32, #tpu.memory_space<vmem>>, vector<16xi32>,
    tpu.vector_store %arg15[%swap3A_770], %broadcast_in_dim3A_41 {strides = array<i32>} : memref<256xi32, #tpu.memory_space<vmem>>, vector<16xi32>,
    %swap3A_772 = arith.constant 32 : index
    %swap3A_773 = tpu.vector_load %arg15[%swap3A_772] {strides = array<i32>} : memref<256xi32, #tpu.memory_space<vmem>>, vector<16xi32>,
    tpu.vector_store %arg15[%swap3A_772], %broadcast_in_dim3A_41 {strides = array<i32>} : memref<256xi32, #tpu.memory_space<vmem>>, vector<16xi32>,
    %swap3A_774 = arith.constant 48 : index
    %swap3A_775 = tpu.vector_load %arg15[%swap3A_774] {strides = array<i32>} : memref<256xi32, #tpu.memory_space<vmem>>, vector<16xi32>,
    tpu.vector_store %arg15[%swap3A_774], %broadcast_in_dim3A_41 {strides = array<i32>} : memref<256xi32, #tpu.memory_space<vmem>>, vector<16xi32>,
    %swap3A_776 = arith.constant 64 : index
    %swap3A_777 = tpu.vector_load %arg15[%swap3A_776] {strides = array<i32>} : memref<256xi32, #tpu.memory_space<vmem>>, vector<16xi32>,
    tpu.vector_store %arg15[%swap3A_776], %broadcast_in_dim3A_41 {strides = array<i32>} : memref<256xi32, #tpu.memory_space<vmem>>, vector<16xi32>,
    %swap3A_778 = arith.constant 80 : index
    %swap3A_779 = tpu.vector_load %arg15[%swap3A_778] {strides = array<i32>} : memref<256xi32, #tpu.memory_space<vmem>>, vector<16xi32>,
    tpu.vector_store %arg15[%swap3A_778], %broadcast_in_dim3A_41 {strides = array<i32>} : memref<256xi32, #tpu.memory_space<vmem>>, vector<16xi32>,
    %swap3A_780 = arith.constant 96 : index
    %swap3A_781 = tpu.vector_load %arg15[%swap3A_780] {strides = array<i32>} : memref<256xi32, #tpu.memory_space<vmem>>, vector<16xi32>,
    tpu.vector_store %arg15[%swap3A_780], %broadcast_in_dim3A_41 {strides = array<i32>} : memref<256xi32, #tpu.memory_space<vmem>>, vector<16xi32>,
    %swap3A_782 = arith.constant 112 : index
    %swap3A_783 = tpu.vector_load %arg15[%swap3A_782] {strides = array<i32>} : memref<256xi32, #tpu.memory_space<vmem>>, vector<16xi32>,
    tpu.vector_store %arg15[%swap3A_782], %broadcast_in_dim3A_41 {strides = array<i32>} : memref<256xi32, #tpu.memory_space<vmem>>, vector<16xi32>,
    %swap3A_784 = arith.constant 128 : index
    %swap3A_785 = tpu.vector_load %arg15[%swap3A_784] {strides = array<i32>} : memref<256xi32, #tpu.memory_space<vmem>>, vector<16xi32>,
    tpu.vector_store %arg15[%swap3A_784], %broadcast_in_dim3A_41 {strides = array<i32>} : memref<256xi32, #tpu.memory_space<vmem>>, vector<16xi32>,
    %swap3A_786 = arith.constant 144 : index
    %swap3A_787 = tpu.vector_load %arg15[%swap3A_786] {strides = array<i32>} : memref<256xi32, #tpu.memory_space<vmem>>, vector<16xi32>,
    tpu.vector_store %arg15[%swap3A_786], %broadcast_in_dim3A_41 {strides = array<i32>} : memref<256xi32, #tpu.memory_space<vmem>>, vector<16xi32>,
    %swap3A_788 = arith.constant 160 : index
    %swap3A_789 = tpu.vector_load %arg15[%swap3A_788] {strides = array<i32>} : memref<256xi32, #tpu.memory_space<vmem>>, vector<16xi32>,
    tpu.vector_store %arg15[%swap3A_788], %broadcast_in_dim3A_41 {strides = array<i32>} : memref<256xi32, #tpu.memory_space<vmem>>, vector<16xi32>,
    %swap3A_790 = arith.constant 176 : index
    %swap3A_791 = tpu.vector_load %arg15[%swap3A_790] {strides = array<i32>} : memref<256xi32, #tpu.memory_space<vmem>>, vector<16xi32>,
    tpu.vector_store %arg15[%swap3A_790], %broadcast_in_dim3A_41 {strides = array<i32>} : memref<256xi32, #tpu.memory_space<vmem>>, vector<16xi32>,
    %swap3A_792 = arith.constant 192 : index
    %swap3A_793 = tpu.vector_load %arg15[%swap3A_792] {strides = array<i32>} : memref<256xi32, #tpu.memory_space<vmem>>, vector<16xi32>,
    tpu.vector_store %arg15[%swap3A_792], %broadcast_in_dim3A_41 {strides = array<i32>} : memref<256xi32, #tpu.memory_space<vmem>>, vector<16xi32>,
    %swap3A_794 = arith.constant 208 : index
    %swap3A_795 = tpu.vector_load %arg15[%swap3A_794] {strides = array<i32>} : memref<256xi32, #tpu.memory_space<vmem>>, vector<16xi32>,
    tpu.vector_store %arg15[%swap3A_794], %broadcast_in_dim3A_41 {strides = array<i32>} : memref<256xi32, #tpu.memory_space<vmem>>, vector<16xi32>,
    %swap3A_796 = arith.constant 224 : index
    %swap3A_797 = tpu.vector_load %arg15[%swap3A_796] {strides = array<i32>} : memref<256xi32, #tpu.memory_space<vmem>>, vector<16xi32>,
    tpu.vector_store %arg15[%swap3A_796], %broadcast_in_dim3A_41 {strides = array<i32>} : memref<256xi32, #tpu.memory_space<vmem>>, vector<16xi32>,
    %swap3A_798 = arith.constant 240 : index
    %swap3A_799 = tpu.vector_load %arg15[%swap3A_798] {strides = array<i32>} : memref<256xi32, #tpu.memory_space<vmem>>, vector<16xi32>,
    tpu.vector_store %arg15[%swap3A_798], %broadcast_in_dim3A_41 {strides = array<i32>} : memref<256xi32, #tpu.memory_space<vmem>>, vector<16xi32>,
    %min3A_800 = arith.constant 240 : i32
    %min3A_801 = vector.broadcast %min3A_800 : i32 to vector<16xi32>
    %min3A_802 = arith.minsi %scan3A_726#0, %min3A_801 : vector<16xi32>
    %add3A_803 = arith.constant 1 : i32
    %add3A_804 = vector.broadcast %add3A_803 : i32 to vector<16xi32>
    %add3A_805 = arith.addi %add3A_707, %add3A_804 : vector<16xi32>
    %lt3A_806 = arith.constant 192 : i32
    %lt3A_807 = vector.broadcast %lt3A_806 : i32 to vector<16xi32>
    %lt3A_808 = arith.cmpi slt, %scan3A_726#0, %lt3A_807 : vector<16xi32>
    tpu.vector_store_idx %arg15[%min3A_802], %add3A_805 masked %lt3A_808 : memref<256xi32, #tpu.memory_space<vmem>>[vector<16xi32>], vector<16xi32>, vector<16xi1>
    %min3A_809 = arith.constant 240 : i32
    %min3A_810 = vector.broadcast %min3A_809 : i32 to vector<16xi32>
    %min3A_811 = arith.minsi %scan3A_726#1, %min3A_810 : vector<16xi32>
    %add3A_812 = arith.constant 1 : i32
    %add3A_813 = vector.broadcast %add3A_812 : i32 to vector<16xi32>
    %add3A_814 = arith.addi %add3A_714, %add3A_813 : vector<16xi32>
    %lt3A_815 = arith.constant 192 : i32
    %lt3A_816 = vector.broadcast %lt3A_815 : i32 to vector<16xi32>
    %lt3A_817 = arith.cmpi slt, %scan3A_726#1, %lt3A_816 : vector<16xi32>
    tpu.vector_store_idx %arg15[%min3A_811], %add3A_814 masked %lt3A_817 : memref<256xi32, #tpu.memory_space<vmem>>[vector<16xi32>], vector<16xi32>, vector<16xi1>
    %min3A_818 = arith.constant 240 : i32
    %min3A_819 = vector.broadcast %min3A_818 : i32 to vector<16xi32>
    %min3A_820 = arith.minsi %scan3A_726#2, %min3A_819 : vector<16xi32>
    %add3A_821 = arith.constant 1 : i32
    %add3A_822 = vector.broadcast %add3A_821 : i32 to vector<16xi32>
    %add3A_823 = arith.addi %add3A_721, %add3A_822 : vector<16xi32>
    %lt3A_824 = arith.constant 192 : i32
    %lt3A_825 = vector.broadcast %lt3A_824 : i32 to vector<16xi32>
    %lt3A_826 = arith.cmpi slt, %scan3A_726#2, %lt3A_825 : vector<16xi32>
    tpu.vector_store_idx %arg15[%min3A_820], %add3A_823 masked %lt3A_826 : memref<256xi32, #tpu.memory_space<vmem>>[vector<16xi32>], vector<16xi32>, vector<16xi1>
    %mul3A_827 = arith.constant 8 : i32
    %mul3A_828 = arith.muli %select_n3A, %mul3A_827 : i32
    %add3A_829 = arith.addi %mul3A_828, %select_n3A_28 : i32
    %mul3A_830 = arith.constant 256 : i32
    %mul3A_831 = arith.muli %add3A_829, %mul3A_830 : i32
    "tpu.region"() ({
      %run_scoped3A = tpu.sem_alloc : memref<!tpu.dma_semaphore, #tpu.memory_space<semaphore_mem>>
      %dma_start3A_840 = tpu.memref_slice %arg18[%mul3A_831] : memref<4096xi32, #tpu.memory_space<vmem_shared>> -> memref<256xi32, #tpu.memory_space<vmem_shared>>
      %dma_start3A_841 = tpu.memref_slice %arg18[%mul3A_831] : memref<4096xi32, #tpu.memory_space<vmem_shared>> -> memref<256xi32, #tpu.memory_space<vmem_shared>>
      tpu.enqueue_dma source(%arg15 : memref<256xi32, #tpu.memory_space<vmem>>) target(%dma_start3A_841 : memref<256xi32, #tpu.memory_space<vmem_shared>>) target_semaphore(%run_scoped3A : memref<!tpu.dma_semaphore, #tpu.memory_space<semaphore_mem>>)
      %dma_wait3A_842 = tpu.memref_slice %arg18[%mul3A_831] : memref<4096xi32, #tpu.memory_space<vmem_shared>> -> memref<256xi32, #tpu.memory_space<vmem_shared>>
      %dma_wait3A_843 = tpu.memref_slice %arg18[%mul3A_831] : memref<4096xi32, #tpu.memory_space<vmem_shared>> -> memref<256xi32, #tpu.memory_space<vmem_shared>>
      tpu.wait_dma2 semaphore(%run_scoped3A : memref<!tpu.dma_semaphore, #tpu.memory_space<semaphore_mem>>) src(%arg15 : memref<256xi32, #tpu.memory_space<vmem>>) dst(%dma_wait3A_843 : memref<256xi32, #tpu.memory_space<vmem_shared>>)
      tpu.yield
    }) : () -> ()
    %barrier3A_832 = arith.constant 0 : index
    tpu.barrier barrier_id(%barrier3A_832)
    %eq3A_833 = arith.constant 0 : i32
    %eq3A_834 = arith.cmpi eq, %select_n3A_28, %eq3A_833 : i32
    %convert_element_type3A = arith.extui %eq3A_834 : i1 to i32
    %cond3A = arith.constant 0 : i32
    %cond3A_835 = arith.cmpi ne, %convert_element_type3A, %cond3A : i32
    scf.if %cond3A_835 {
      %mul3A_840 = arith.constant 8 : i32
      %mul3A_841 = arith.muli %select_n3A, %mul3A_840 : i32
      %mul3A_842 = arith.constant 256 : i32
      %mul3A_843 = arith.muli %mul3A_841, %mul3A_842 : i32
      "tpu.region"() ({
        %run_scoped3A = tpu.sem_alloc : memref<!tpu.dma_semaphore, #tpu.memory_space<semaphore_mem>>
        %dma_start3A_1179 = tpu.memref_slice %arg18[%mul3A_843] : memref<4096xi32, #tpu.memory_space<vmem_shared>> -> memref<2048xi32, #tpu.memory_space<vmem_shared>>
        %dma_start3A_1180 = tpu.memref_slice %arg18[%mul3A_843] : memref<4096xi32, #tpu.memory_space<vmem_shared>> -> memref<2048xi32, #tpu.memory_space<vmem_shared>>
        tpu.enqueue_dma source(%dma_start3A_1180 : memref<2048xi32, #tpu.memory_space<vmem_shared>>) target(%arg16 : memref<2048xi32, #tpu.memory_space<vmem>>) target_semaphore(%run_scoped3A : memref<!tpu.dma_semaphore, #tpu.memory_space<semaphore_mem>>)
        %dma_wait3A_1181 = tpu.memref_slice %arg18[%mul3A_843] : memref<4096xi32, #tpu.memory_space<vmem_shared>> -> memref<2048xi32, #tpu.memory_space<vmem_shared>>
        %dma_wait3A_1182 = tpu.memref_slice %arg18[%mul3A_843] : memref<4096xi32, #tpu.memory_space<vmem_shared>> -> memref<2048xi32, #tpu.memory_space<vmem_shared>>
        tpu.wait_dma2 semaphore(%run_scoped3A : memref<!tpu.dma_semaphore, #tpu.memory_space<semaphore_mem>>) src(%dma_wait3A_1182 : memref<2048xi32, #tpu.memory_space<vmem_shared>>) dst(%arg16 : memref<2048xi32, #tpu.memory_space<vmem>>)
        tpu.yield
      }) : () -> ()
      %get3A = arith.constant 0 : index
      %get3A_844 = tpu.vector_load %arg16[%get3A] {strides = array<i32>} : memref<2048xi32, #tpu.memory_space<vmem>>, vector<16xi32>,
      %get3A_845 = arith.constant 256 : index
      %get3A_846 = tpu.vector_load %arg16[%get3A_845] {strides = array<i32>} : memref<2048xi32, #tpu.memory_space<vmem>>, vector<16xi32>,
      %add3A_847 = arith.addi %get3A_844, %get3A_846 : vector<16xi32>
      %get3A_848 = arith.constant 512 : index
      %get3A_849 = tpu.vector_load %arg16[%get3A_848] {strides = array<i32>} : memref<2048xi32, #tpu.memory_space<vmem>>, vector<16xi32>,
      %add3A_850 = arith.addi %add3A_847, %get3A_849 : vector<16xi32>
      %get3A_851 = arith.constant 768 : index
      %get3A_852 = tpu.vector_load %arg16[%get3A_851] {strides = array<i32>} : memref<2048xi32, #tpu.memory_space<vmem>>, vector<16xi32>,
      %add3A_853 = arith.addi %add3A_850, %get3A_852 : vector<16xi32>
      %get3A_854 = arith.constant 1024 : index
      %get3A_855 = tpu.vector_load %arg16[%get3A_854] {strides = array<i32>} : memref<2048xi32, #tpu.memory_space<vmem>>, vector<16xi32>,
      %add3A_856 = arith.addi %add3A_853, %get3A_855 : vector<16xi32>
      %get3A_857 = arith.constant 1280 : index
      %get3A_858 = tpu.vector_load %arg16[%get3A_857] {strides = array<i32>} : memref<2048xi32, #tpu.memory_space<vmem>>, vector<16xi32>,
      %add3A_859 = arith.addi %add3A_856, %get3A_858 : vector<16xi32>
      %get3A_860 = arith.constant 1536 : index
      %get3A_861 = tpu.vector_load %arg16[%get3A_860] {strides = array<i32>} : memref<2048xi32, #tpu.memory_space<vmem>>, vector<16xi32>,
      %add3A_862 = arith.addi %add3A_859, %get3A_861 : vector<16xi32>
      %get3A_863 = arith.constant 1792 : index
      %get3A_864 = tpu.vector_load %arg16[%get3A_863] {strides = array<i32>} : memref<2048xi32, #tpu.memory_space<vmem>>, vector<16xi32>,
      %add3A_865 = arith.addi %add3A_862, %get3A_864 : vector<16xi32>
      %sub3A_866 = arith.constant 1 : i32
      %sub3A_867 = vector.broadcast %sub3A_866 : i32 to vector<16xi32>
      %sub3A_868 = arith.subi %add3A_865, %sub3A_867 : vector<16xi32>
      %swap3A_869 = arith.constant 0 : index
      %swap3A_870 = tpu.vector_load %arg15[%swap3A_869] {strides = array<i32>} : memref<256xi32, #tpu.memory_space<vmem>>, vector<16xi32>,
      tpu.vector_store %arg15[%swap3A_869], %sub3A_868 {strides = array<i32>} : memref<256xi32, #tpu.memory_space<vmem>>, vector<16xi32>,
      %get3A_871 = arith.constant 16 : index
      %get3A_872 = tpu.vector_load %arg16[%get3A_871] {strides = array<i32>} : memref<2048xi32, #tpu.memory_space<vmem>>, vector<16xi32>,
      %get3A_873 = arith.constant 272 : index
      %get3A_874 = tpu.vector_load %arg16[%get3A_873] {strides = array<i32>} : memref<2048xi32, #tpu.memory_space<vmem>>, vector<16xi32>,
      %add3A_875 = arith.addi %get3A_872, %get3A_874 : vector<16xi32>
      %get3A_876 = arith.constant 528 : index
      %get3A_877 = tpu.vector_load %arg16[%get3A_876] {strides = array<i32>} : memref<2048xi32, #tpu.memory_space<vmem>>, vector<16xi32>,
      %add3A_878 = arith.addi %add3A_875, %get3A_877 : vector<16xi32>
      %get3A_879 = arith.constant 784 : index
      %get3A_880 = tpu.vector_load %arg16[%get3A_879] {strides = array<i32>} : memref<2048xi32, #tpu.memory_space<vmem>>, vector<16xi32>,
      %add3A_881 = arith.addi %add3A_878, %get3A_880 : vector<16xi32>
      %get3A_882 = arith.constant 1040 : index
      %get3A_883 = tpu.vector_load %arg16[%get3A_882] {strides = array<i32>} : memref<2048xi32, #tpu.memory_space<vmem>>, vector<16xi32>,
      %add3A_884 = arith.addi %add3A_881, %get3A_883 : vector<16xi32>
      %get3A_885 = arith.constant 1296 : index
      %get3A_886 = tpu.vector_load %arg16[%get3A_885] {strides = array<i32>} : memref<2048xi32, #tpu.memory_space<vmem>>, vector<16xi32>,
      %add3A_887 = arith.addi %add3A_884, %get3A_886 : vector<16xi32>
      %get3A_888 = arith.constant 1552 : index
      %get3A_889 = tpu.vector_load %arg16[%get3A_888] {strides = array<i32>} : memref<2048xi32, #tpu.memory_space<vmem>>, vector<16xi32>,
      %add3A_890 = arith.addi %add3A_887, %get3A_889 : vector<16xi32>
      %get3A_891 = arith.constant 1808 : index
      %get3A_892 = tpu.vector_load %arg16[%get3A_891] {strides = array<i32>} : memref<2048xi32, #tpu.memory_space<vmem>>, vector<16xi32>,
      %add3A_893 = arith.addi %add3A_890, %get3A_892 : vector<16xi32>
      %sub3A_894 = arith.constant 1 : i32
      %sub3A_895 = vector.broadcast %sub3A_894 : i32 to vector<16xi32>
      %sub3A_896 = arith.subi %add3A_893, %sub3A_895 : vector<16xi32>
      %swap3A_897 = arith.constant 16 : index
      %swap3A_898 = tpu.vector_load %arg15[%swap3A_897] {strides = array<i32>} : memref<256xi32, #tpu.memory_space<vmem>>, vector<16xi32>,
      tpu.vector_store %arg15[%swap3A_897], %sub3A_896 {strides = array<i32>} : memref<256xi32, #tpu.memory_space<vmem>>, vector<16xi32>,
      %get3A_899 = arith.constant 32 : index
      %get3A_900 = tpu.vector_load %arg16[%get3A_899] {strides = array<i32>} : memref<2048xi32, #tpu.memory_space<vmem>>, vector<16xi32>,
      %get3A_901 = arith.constant 288 : index
      %get3A_902 = tpu.vector_load %arg16[%get3A_901] {strides = array<i32>} : memref<2048xi32, #tpu.memory_space<vmem>>, vector<16xi32>,
      %add3A_903 = arith.addi %get3A_900, %get3A_902 : vector<16xi32>
      %get3A_904 = arith.constant 544 : index
      %get3A_905 = tpu.vector_load %arg16[%get3A_904] {strides = array<i32>} : memref<2048xi32, #tpu.memory_space<vmem>>, vector<16xi32>,
      %add3A_906 = arith.addi %add3A_903, %get3A_905 : vector<16xi32>
      %get3A_907 = arith.constant 800 : index
      %get3A_908 = tpu.vector_load %arg16[%get3A_907] {strides = array<i32>} : memref<2048xi32, #tpu.memory_space<vmem>>, vector<16xi32>,
      %add3A_909 = arith.addi %add3A_906, %get3A_908 : vector<16xi32>
      %get3A_910 = arith.constant 1056 : index
      %get3A_911 = tpu.vector_load %arg16[%get3A_910] {strides = array<i32>} : memref<2048xi32, #tpu.memory_space<vmem>>, vector<16xi32>,
      %add3A_912 = arith.addi %add3A_909, %get3A_911 : vector<16xi32>
      %get3A_913 = arith.constant 1312 : index
      %get3A_914 = tpu.vector_load %arg16[%get3A_913] {strides = array<i32>} : memref<2048xi32, #tpu.memory_space<vmem>>, vector<16xi32>,
      %add3A_915 = arith.addi %add3A_912, %get3A_914 : vector<16xi32>
      %get3A_916 = arith.constant 1568 : index
      %get3A_917 = tpu.vector_load %arg16[%get3A_916] {strides = array<i32>} : memref<2048xi32, #tpu.memory_space<vmem>>, vector<16xi32>,
      %add3A_918 = arith.addi %add3A_915, %get3A_917 : vector<16xi32>
      %get3A_919 = arith.constant 1824 : index
      %get3A_920 = tpu.vector_load %arg16[%get3A_919] {strides = array<i32>} : memref<2048xi32, #tpu.memory_space<vmem>>, vector<16xi32>,
      %add3A_921 = arith.addi %add3A_918, %get3A_920 : vector<16xi32>
      %sub3A_922 = arith.constant 1 : i32
      %sub3A_923 = vector.broadcast %sub3A_922 : i32 to vector<16xi32>
      %sub3A_924 = arith.subi %add3A_921, %sub3A_923 : vector<16xi32>
      %swap3A_925 = arith.constant 32 : index
      %swap3A_926 = tpu.vector_load %arg15[%swap3A_925] {strides = array<i32>} : memref<256xi32, #tpu.memory_space<vmem>>, vector<16xi32>,
      tpu.vector_store %arg15[%swap3A_925], %sub3A_924 {strides = array<i32>} : memref<256xi32, #tpu.memory_space<vmem>>, vector<16xi32>,
      %get3A_927 = arith.constant 48 : index
      %get3A_928 = tpu.vector_load %arg16[%get3A_927] {strides = array<i32>} : memref<2048xi32, #tpu.memory_space<vmem>>, vector<16xi32>,
      %get3A_929 = arith.constant 304 : index
      %get3A_930 = tpu.vector_load %arg16[%get3A_929] {strides = array<i32>} : memref<2048xi32, #tpu.memory_space<vmem>>, vector<16xi32>,
      %add3A_931 = arith.addi %get3A_928, %get3A_930 : vector<16xi32>
      %get3A_932 = arith.constant 560 : index
      %get3A_933 = tpu.vector_load %arg16[%get3A_932] {strides = array<i32>} : memref<2048xi32, #tpu.memory_space<vmem>>, vector<16xi32>,
      %add3A_934 = arith.addi %add3A_931, %get3A_933 : vector<16xi32>
      %get3A_935 = arith.constant 816 : index
      %get3A_936 = tpu.vector_load %arg16[%get3A_935] {strides = array<i32>} : memref<2048xi32, #tpu.memory_space<vmem>>, vector<16xi32>,
      %add3A_937 = arith.addi %add3A_934, %get3A_936 : vector<16xi32>
      %get3A_938 = arith.constant 1072 : index
      %get3A_939 = tpu.vector_load %arg16[%get3A_938] {strides = array<i32>} : memref<2048xi32, #tpu.memory_space<vmem>>, vector<16xi32>,
      %add3A_940 = arith.addi %add3A_937, %get3A_939 : vector<16xi32>
      %get3A_941 = arith.constant 1328 : index
      %get3A_942 = tpu.vector_load %arg16[%get3A_941] {strides = array<i32>} : memref<2048xi32, #tpu.memory_space<vmem>>, vector<16xi32>,
      %add3A_943 = arith.addi %add3A_940, %get3A_942 : vector<16xi32>
      %get3A_944 = arith.constant 1584 : index
      %get3A_945 = tpu.vector_load %arg16[%get3A_944] {strides = array<i32>} : memref<2048xi32, #tpu.memory_space<vmem>>, vector<16xi32>,
      %add3A_946 = arith.addi %add3A_943, %get3A_945 : vector<16xi32>
      %get3A_947 = arith.constant 1840 : index
      %get3A_948 = tpu.vector_load %arg16[%get3A_947] {strides = array<i32>} : memref<2048xi32, #tpu.memory_space<vmem>>, vector<16xi32>,
      %add3A_949 = arith.addi %add3A_946, %get3A_948 : vector<16xi32>
      %sub3A_950 = arith.constant 1 : i32
      %sub3A_951 = vector.broadcast %sub3A_950 : i32 to vector<16xi32>
      %sub3A_952 = arith.subi %add3A_949, %sub3A_951 : vector<16xi32>
      %swap3A_953 = arith.constant 48 : index
      %swap3A_954 = tpu.vector_load %arg15[%swap3A_953] {strides = array<i32>} : memref<256xi32, #tpu.memory_space<vmem>>, vector<16xi32>,
      tpu.vector_store %arg15[%swap3A_953], %sub3A_952 {strides = array<i32>} : memref<256xi32, #tpu.memory_space<vmem>>, vector<16xi32>,
      %get3A_955 = arith.constant 64 : index
      %get3A_956 = tpu.vector_load %arg16[%get3A_955] {strides = array<i32>} : memref<2048xi32, #tpu.memory_space<vmem>>, vector<16xi32>,
      %get3A_957 = arith.constant 320 : index
      %get3A_958 = tpu.vector_load %arg16[%get3A_957] {strides = array<i32>} : memref<2048xi32, #tpu.memory_space<vmem>>, vector<16xi32>,
      %add3A_959 = arith.addi %get3A_956, %get3A_958 : vector<16xi32>
      %get3A_960 = arith.constant 576 : index
      %get3A_961 = tpu.vector_load %arg16[%get3A_960] {strides = array<i32>} : memref<2048xi32, #tpu.memory_space<vmem>>, vector<16xi32>,
      %add3A_962 = arith.addi %add3A_959, %get3A_961 : vector<16xi32>
      %get3A_963 = arith.constant 832 : index
      %get3A_964 = tpu.vector_load %arg16[%get3A_963] {strides = array<i32>} : memref<2048xi32, #tpu.memory_space<vmem>>, vector<16xi32>,
      %add3A_965 = arith.addi %add3A_962, %get3A_964 : vector<16xi32>
      %get3A_966 = arith.constant 1088 : index
      %get3A_967 = tpu.vector_load %arg16[%get3A_966] {strides = array<i32>} : memref<2048xi32, #tpu.memory_space<vmem>>, vector<16xi32>,
      %add3A_968 = arith.addi %add3A_965, %get3A_967 : vector<16xi32>
      %get3A_969 = arith.constant 1344 : index
      %get3A_970 = tpu.vector_load %arg16[%get3A_969] {strides = array<i32>} : memref<2048xi32, #tpu.memory_space<vmem>>, vector<16xi32>,
      %add3A_971 = arith.addi %add3A_968, %get3A_970 : vector<16xi32>
      %get3A_972 = arith.constant 1600 : index
      %get3A_973 = tpu.vector_load %arg16[%get3A_972] {strides = array<i32>} : memref<2048xi32, #tpu.memory_space<vmem>>, vector<16xi32>,
      %add3A_974 = arith.addi %add3A_971, %get3A_973 : vector<16xi32>
      %get3A_975 = arith.constant 1856 : index
      %get3A_976 = tpu.vector_load %arg16[%get3A_975] {strides = array<i32>} : memref<2048xi32, #tpu.memory_space<vmem>>, vector<16xi32>,
      %add3A_977 = arith.addi %add3A_974, %get3A_976 : vector<16xi32>
      %sub3A_978 = arith.constant 1 : i32
      %sub3A_979 = vector.broadcast %sub3A_978 : i32 to vector<16xi32>
      %sub3A_980 = arith.subi %add3A_977, %sub3A_979 : vector<16xi32>
      %swap3A_981 = arith.constant 64 : index
      %swap3A_982 = tpu.vector_load %arg15[%swap3A_981] {strides = array<i32>} : memref<256xi32, #tpu.memory_space<vmem>>, vector<16xi32>,
      tpu.vector_store %arg15[%swap3A_981], %sub3A_980 {strides = array<i32>} : memref<256xi32, #tpu.memory_space<vmem>>, vector<16xi32>,
      %get3A_983 = arith.constant 80 : index
      %get3A_984 = tpu.vector_load %arg16[%get3A_983] {strides = array<i32>} : memref<2048xi32, #tpu.memory_space<vmem>>, vector<16xi32>,
      %get3A_985 = arith.constant 336 : index
      %get3A_986 = tpu.vector_load %arg16[%get3A_985] {strides = array<i32>} : memref<2048xi32, #tpu.memory_space<vmem>>, vector<16xi32>,
      %add3A_987 = arith.addi %get3A_984, %get3A_986 : vector<16xi32>
      %get3A_988 = arith.constant 592 : index
      %get3A_989 = tpu.vector_load %arg16[%get3A_988] {strides = array<i32>} : memref<2048xi32, #tpu.memory_space<vmem>>, vector<16xi32>,
      %add3A_990 = arith.addi %add3A_987, %get3A_989 : vector<16xi32>
      %get3A_991 = arith.constant 848 : index
      %get3A_992 = tpu.vector_load %arg16[%get3A_991] {strides = array<i32>} : memref<2048xi32, #tpu.memory_space<vmem>>, vector<16xi32>,
      %add3A_993 = arith.addi %add3A_990, %get3A_992 : vector<16xi32>
      %get3A_994 = arith.constant 1104 : index
      %get3A_995 = tpu.vector_load %arg16[%get3A_994] {strides = array<i32>} : memref<2048xi32, #tpu.memory_space<vmem>>, vector<16xi32>,
      %add3A_996 = arith.addi %add3A_993, %get3A_995 : vector<16xi32>
      %get3A_997 = arith.constant 1360 : index
      %get3A_998 = tpu.vector_load %arg16[%get3A_997] {strides = array<i32>} : memref<2048xi32, #tpu.memory_space<vmem>>, vector<16xi32>,
      %add3A_999 = arith.addi %add3A_996, %get3A_998 : vector<16xi32>
      %get3A_1000 = arith.constant 1616 : index
      %get3A_1001 = tpu.vector_load %arg16[%get3A_1000] {strides = array<i32>} : memref<2048xi32, #tpu.memory_space<vmem>>, vector<16xi32>,
      %add3A_1002 = arith.addi %add3A_999, %get3A_1001 : vector<16xi32>
      %get3A_1003 = arith.constant 1872 : index
      %get3A_1004 = tpu.vector_load %arg16[%get3A_1003] {strides = array<i32>} : memref<2048xi32, #tpu.memory_space<vmem>>, vector<16xi32>,
      %add3A_1005 = arith.addi %add3A_1002, %get3A_1004 : vector<16xi32>
      %sub3A_1006 = arith.constant 1 : i32
      %sub3A_1007 = vector.broadcast %sub3A_1006 : i32 to vector<16xi32>
      %sub3A_1008 = arith.subi %add3A_1005, %sub3A_1007 : vector<16xi32>
      %swap3A_1009 = arith.constant 80 : index
      %swap3A_1010 = tpu.vector_load %arg15[%swap3A_1009] {strides = array<i32>} : memref<256xi32, #tpu.memory_space<vmem>>, vector<16xi32>,
      tpu.vector_store %arg15[%swap3A_1009], %sub3A_1008 {strides = array<i32>} : memref<256xi32, #tpu.memory_space<vmem>>, vector<16xi32>,
      %get3A_1011 = arith.constant 96 : index
      %get3A_1012 = tpu.vector_load %arg16[%get3A_1011] {strides = array<i32>} : memref<2048xi32, #tpu.memory_space<vmem>>, vector<16xi32>,
      %get3A_1013 = arith.constant 352 : index
      %get3A_1014 = tpu.vector_load %arg16[%get3A_1013] {strides = array<i32>} : memref<2048xi32, #tpu.memory_space<vmem>>, vector<16xi32>,
      %add3A_1015 = arith.addi %get3A_1012, %get3A_1014 : vector<16xi32>
      %get3A_1016 = arith.constant 608 : index
      %get3A_1017 = tpu.vector_load %arg16[%get3A_1016] {strides = array<i32>} : memref<2048xi32, #tpu.memory_space<vmem>>, vector<16xi32>,
      %add3A_1018 = arith.addi %add3A_1015, %get3A_1017 : vector<16xi32>
      %get3A_1019 = arith.constant 864 : index
      %get3A_1020 = tpu.vector_load %arg16[%get3A_1019] {strides = array<i32>} : memref<2048xi32, #tpu.memory_space<vmem>>, vector<16xi32>,
      %add3A_1021 = arith.addi %add3A_1018, %get3A_1020 : vector<16xi32>
      %get3A_1022 = arith.constant 1120 : index
      %get3A_1023 = tpu.vector_load %arg16[%get3A_1022] {strides = array<i32>} : memref<2048xi32, #tpu.memory_space<vmem>>, vector<16xi32>,
      %add3A_1024 = arith.addi %add3A_1021, %get3A_1023 : vector<16xi32>
      %get3A_1025 = arith.constant 1376 : index
      %get3A_1026 = tpu.vector_load %arg16[%get3A_1025] {strides = array<i32>} : memref<2048xi32, #tpu.memory_space<vmem>>, vector<16xi32>,
      %add3A_1027 = arith.addi %add3A_1024, %get3A_1026 : vector<16xi32>
      %get3A_1028 = arith.constant 1632 : index
      %get3A_1029 = tpu.vector_load %arg16[%get3A_1028] {strides = array<i32>} : memref<2048xi32, #tpu.memory_space<vmem>>, vector<16xi32>,
      %add3A_1030 = arith.addi %add3A_1027, %get3A_1029 : vector<16xi32>
      %get3A_1031 = arith.constant 1888 : index
      %get3A_1032 = tpu.vector_load %arg16[%get3A_1031] {strides = array<i32>} : memref<2048xi32, #tpu.memory_space<vmem>>, vector<16xi32>,
      %add3A_1033 = arith.addi %add3A_1030, %get3A_1032 : vector<16xi32>
      %sub3A_1034 = arith.constant 1 : i32
      %sub3A_1035 = vector.broadcast %sub3A_1034 : i32 to vector<16xi32>
      %sub3A_1036 = arith.subi %add3A_1033, %sub3A_1035 : vector<16xi32>
      %swap3A_1037 = arith.constant 96 : index
      %swap3A_1038 = tpu.vector_load %arg15[%swap3A_1037] {strides = array<i32>} : memref<256xi32, #tpu.memory_space<vmem>>, vector<16xi32>,
      tpu.vector_store %arg15[%swap3A_1037], %sub3A_1036 {strides = array<i32>} : memref<256xi32, #tpu.memory_space<vmem>>, vector<16xi32>,
      %get3A_1039 = arith.constant 112 : index
      %get3A_1040 = tpu.vector_load %arg16[%get3A_1039] {strides = array<i32>} : memref<2048xi32, #tpu.memory_space<vmem>>, vector<16xi32>,
      %get3A_1041 = arith.constant 368 : index
      %get3A_1042 = tpu.vector_load %arg16[%get3A_1041] {strides = array<i32>} : memref<2048xi32, #tpu.memory_space<vmem>>, vector<16xi32>,
      %add3A_1043 = arith.addi %get3A_1040, %get3A_1042 : vector<16xi32>
      %get3A_1044 = arith.constant 624 : index
      %get3A_1045 = tpu.vector_load %arg16[%get3A_1044] {strides = array<i32>} : memref<2048xi32, #tpu.memory_space<vmem>>, vector<16xi32>,
      %add3A_1046 = arith.addi %add3A_1043, %get3A_1045 : vector<16xi32>
      %get3A_1047 = arith.constant 880 : index
      %get3A_1048 = tpu.vector_load %arg16[%get3A_1047] {strides = array<i32>} : memref<2048xi32, #tpu.memory_space<vmem>>, vector<16xi32>,
      %add3A_1049 = arith.addi %add3A_1046, %get3A_1048 : vector<16xi32>
      %get3A_1050 = arith.constant 1136 : index
      %get3A_1051 = tpu.vector_load %arg16[%get3A_1050] {strides = array<i32>} : memref<2048xi32, #tpu.memory_space<vmem>>, vector<16xi32>,
      %add3A_1052 = arith.addi %add3A_1049, %get3A_1051 : vector<16xi32>
      %get3A_1053 = arith.constant 1392 : index
      %get3A_1054 = tpu.vector_load %arg16[%get3A_1053] {strides = array<i32>} : memref<2048xi32, #tpu.memory_space<vmem>>, vector<16xi32>,
      %add3A_1055 = arith.addi %add3A_1052, %get3A_1054 : vector<16xi32>
      %get3A_1056 = arith.constant 1648 : index
      %get3A_1057 = tpu.vector_load %arg16[%get3A_1056] {strides = array<i32>} : memref<2048xi32, #tpu.memory_space<vmem>>, vector<16xi32>,
      %add3A_1058 = arith.addi %add3A_1055, %get3A_1057 : vector<16xi32>
      %get3A_1059 = arith.constant 1904 : index
      %get3A_1060 = tpu.vector_load %arg16[%get3A_1059] {strides = array<i32>} : memref<2048xi32, #tpu.memory_space<vmem>>, vector<16xi32>,
      %add3A_1061 = arith.addi %add3A_1058, %get3A_1060 : vector<16xi32>
      %sub3A_1062 = arith.constant 1 : i32
      %sub3A_1063 = vector.broadcast %sub3A_1062 : i32 to vector<16xi32>
      %sub3A_1064 = arith.subi %add3A_1061, %sub3A_1063 : vector<16xi32>
      %swap3A_1065 = arith.constant 112 : index
      %swap3A_1066 = tpu.vector_load %arg15[%swap3A_1065] {strides = array<i32>} : memref<256xi32, #tpu.memory_space<vmem>>, vector<16xi32>,
      tpu.vector_store %arg15[%swap3A_1065], %sub3A_1064 {strides = array<i32>} : memref<256xi32, #tpu.memory_space<vmem>>, vector<16xi32>,
      %get3A_1067 = arith.constant 128 : index
      %get3A_1068 = tpu.vector_load %arg16[%get3A_1067] {strides = array<i32>} : memref<2048xi32, #tpu.memory_space<vmem>>, vector<16xi32>,
      %get3A_1069 = arith.constant 384 : index
      %get3A_1070 = tpu.vector_load %arg16[%get3A_1069] {strides = array<i32>} : memref<2048xi32, #tpu.memory_space<vmem>>, vector<16xi32>,
      %add3A_1071 = arith.addi %get3A_1068, %get3A_1070 : vector<16xi32>
      %get3A_1072 = arith.constant 640 : index
      %get3A_1073 = tpu.vector_load %arg16[%get3A_1072] {strides = array<i32>} : memref<2048xi32, #tpu.memory_space<vmem>>, vector<16xi32>,
      %add3A_1074 = arith.addi %add3A_1071, %get3A_1073 : vector<16xi32>
      %get3A_1075 = arith.constant 896 : index
      %get3A_1076 = tpu.vector_load %arg16[%get3A_1075] {strides = array<i32>} : memref<2048xi32, #tpu.memory_space<vmem>>, vector<16xi32>,
      %add3A_1077 = arith.addi %add3A_1074, %get3A_1076 : vector<16xi32>
      %get3A_1078 = arith.constant 1152 : index
      %get3A_1079 = tpu.vector_load %arg16[%get3A_1078] {strides = array<i32>} : memref<2048xi32, #tpu.memory_space<vmem>>, vector<16xi32>,
      %add3A_1080 = arith.addi %add3A_1077, %get3A_1079 : vector<16xi32>
      %get3A_1081 = arith.constant 1408 : index
      %get3A_1082 = tpu.vector_load %arg16[%get3A_1081] {strides = array<i32>} : memref<2048xi32, #tpu.memory_space<vmem>>, vector<16xi32>,
      %add3A_1083 = arith.addi %add3A_1080, %get3A_1082 : vector<16xi32>
      %get3A_1084 = arith.constant 1664 : index
      %get3A_1085 = tpu.vector_load %arg16[%get3A_1084] {strides = array<i32>} : memref<2048xi32, #tpu.memory_space<vmem>>, vector<16xi32>,
      %add3A_1086 = arith.addi %add3A_1083, %get3A_1085 : vector<16xi32>
      %get3A_1087 = arith.constant 1920 : index
      %get3A_1088 = tpu.vector_load %arg16[%get3A_1087] {strides = array<i32>} : memref<2048xi32, #tpu.memory_space<vmem>>, vector<16xi32>,
      %add3A_1089 = arith.addi %add3A_1086, %get3A_1088 : vector<16xi32>
      %sub3A_1090 = arith.constant 1 : i32
      %sub3A_1091 = vector.broadcast %sub3A_1090 : i32 to vector<16xi32>
      %sub3A_1092 = arith.subi %add3A_1089, %sub3A_1091 : vector<16xi32>
      %swap3A_1093 = arith.constant 128 : index
      %swap3A_1094 = tpu.vector_load %arg15[%swap3A_1093] {strides = array<i32>} : memref<256xi32, #tpu.memory_space<vmem>>, vector<16xi32>,
      tpu.vector_store %arg15[%swap3A_1093], %sub3A_1092 {strides = array<i32>} : memref<256xi32, #tpu.memory_space<vmem>>, vector<16xi32>,
      %get3A_1095 = arith.constant 144 : index
      %get3A_1096 = tpu.vector_load %arg16[%get3A_1095] {strides = array<i32>} : memref<2048xi32, #tpu.memory_space<vmem>>, vector<16xi32>,
      %get3A_1097 = arith.constant 400 : index
      %get3A_1098 = tpu.vector_load %arg16[%get3A_1097] {strides = array<i32>} : memref<2048xi32, #tpu.memory_space<vmem>>, vector<16xi32>,
      %add3A_1099 = arith.addi %get3A_1096, %get3A_1098 : vector<16xi32>
      %get3A_1100 = arith.constant 656 : index
      %get3A_1101 = tpu.vector_load %arg16[%get3A_1100] {strides = array<i32>} : memref<2048xi32, #tpu.memory_space<vmem>>, vector<16xi32>,
      %add3A_1102 = arith.addi %add3A_1099, %get3A_1101 : vector<16xi32>
      %get3A_1103 = arith.constant 912 : index
      %get3A_1104 = tpu.vector_load %arg16[%get3A_1103] {strides = array<i32>} : memref<2048xi32, #tpu.memory_space<vmem>>, vector<16xi32>,
      %add3A_1105 = arith.addi %add3A_1102, %get3A_1104 : vector<16xi32>
      %get3A_1106 = arith.constant 1168 : index
      %get3A_1107 = tpu.vector_load %arg16[%get3A_1106] {strides = array<i32>} : memref<2048xi32, #tpu.memory_space<vmem>>, vector<16xi32>,
      %add3A_1108 = arith.addi %add3A_1105, %get3A_1107 : vector<16xi32>
      %get3A_1109 = arith.constant 1424 : index
      %get3A_1110 = tpu.vector_load %arg16[%get3A_1109] {strides = array<i32>} : memref<2048xi32, #tpu.memory_space<vmem>>, vector<16xi32>,
      %add3A_1111 = arith.addi %add3A_1108, %get3A_1110 : vector<16xi32>
      %get3A_1112 = arith.constant 1680 : index
      %get3A_1113 = tpu.vector_load %arg16[%get3A_1112] {strides = array<i32>} : memref<2048xi32, #tpu.memory_space<vmem>>, vector<16xi32>,
      %add3A_1114 = arith.addi %add3A_1111, %get3A_1113 : vector<16xi32>
      %get3A_1115 = arith.constant 1936 : index
      %get3A_1116 = tpu.vector_load %arg16[%get3A_1115] {strides = array<i32>} : memref<2048xi32, #tpu.memory_space<vmem>>, vector<16xi32>,
      %add3A_1117 = arith.addi %add3A_1114, %get3A_1116 : vector<16xi32>
      %sub3A_1118 = arith.constant 1 : i32
      %sub3A_1119 = vector.broadcast %sub3A_1118 : i32 to vector<16xi32>
      %sub3A_1120 = arith.subi %add3A_1117, %sub3A_1119 : vector<16xi32>
      %swap3A_1121 = arith.constant 144 : index
      %swap3A_1122 = tpu.vector_load %arg15[%swap3A_1121] {strides = array<i32>} : memref<256xi32, #tpu.memory_space<vmem>>, vector<16xi32>,
      tpu.vector_store %arg15[%swap3A_1121], %sub3A_1120 {strides = array<i32>} : memref<256xi32, #tpu.memory_space<vmem>>, vector<16xi32>,
      %get3A_1123 = arith.constant 160 : index
      %get3A_1124 = tpu.vector_load %arg16[%get3A_1123] {strides = array<i32>} : memref<2048xi32, #tpu.memory_space<vmem>>, vector<16xi32>,
      %get3A_1125 = arith.constant 416 : index
      %get3A_1126 = tpu.vector_load %arg16[%get3A_1125] {strides = array<i32>} : memref<2048xi32, #tpu.memory_space<vmem>>, vector<16xi32>,
      %add3A_1127 = arith.addi %get3A_1124, %get3A_1126 : vector<16xi32>
      %get3A_1128 = arith.constant 672 : index
      %get3A_1129 = tpu.vector_load %arg16[%get3A_1128] {strides = array<i32>} : memref<2048xi32, #tpu.memory_space<vmem>>, vector<16xi32>,
      %add3A_1130 = arith.addi %add3A_1127, %get3A_1129 : vector<16xi32>
      %get3A_1131 = arith.constant 928 : index
      %get3A_1132 = tpu.vector_load %arg16[%get3A_1131] {strides = array<i32>} : memref<2048xi32, #tpu.memory_space<vmem>>, vector<16xi32>,
      %add3A_1133 = arith.addi %add3A_1130, %get3A_1132 : vector<16xi32>
      %get3A_1134 = arith.constant 1184 : index
      %get3A_1135 = tpu.vector_load %arg16[%get3A_1134] {strides = array<i32>} : memref<2048xi32, #tpu.memory_space<vmem>>, vector<16xi32>,
      %add3A_1136 = arith.addi %add3A_1133, %get3A_1135 : vector<16xi32>
      %get3A_1137 = arith.constant 1440 : index
      %get3A_1138 = tpu.vector_load %arg16[%get3A_1137] {strides = array<i32>} : memref<2048xi32, #tpu.memory_space<vmem>>, vector<16xi32>,
      %add3A_1139 = arith.addi %add3A_1136, %get3A_1138 : vector<16xi32>
      %get3A_1140 = arith.constant 1696 : index
      %get3A_1141 = tpu.vector_load %arg16[%get3A_1140] {strides = array<i32>} : memref<2048xi32, #tpu.memory_space<vmem>>, vector<16xi32>,
      %add3A_1142 = arith.addi %add3A_1139, %get3A_1141 : vector<16xi32>
      %get3A_1143 = arith.constant 1952 : index
      %get3A_1144 = tpu.vector_load %arg16[%get3A_1143] {strides = array<i32>} : memref<2048xi32, #tpu.memory_space<vmem>>, vector<16xi32>,
      %add3A_1145 = arith.addi %add3A_1142, %get3A_1144 : vector<16xi32>
      %sub3A_1146 = arith.constant 1 : i32
      %sub3A_1147 = vector.broadcast %sub3A_1146 : i32 to vector<16xi32>
      %sub3A_1148 = arith.subi %add3A_1145, %sub3A_1147 : vector<16xi32>
      %swap3A_1149 = arith.constant 160 : index
      %swap3A_1150 = tpu.vector_load %arg15[%swap3A_1149] {strides = array<i32>} : memref<256xi32, #tpu.memory_space<vmem>>, vector<16xi32>,
      tpu.vector_store %arg15[%swap3A_1149], %sub3A_1148 {strides = array<i32>} : memref<256xi32, #tpu.memory_space<vmem>>, vector<16xi32>,
      %get3A_1151 = arith.constant 176 : index
      %get3A_1152 = tpu.vector_load %arg16[%get3A_1151] {strides = array<i32>} : memref<2048xi32, #tpu.memory_space<vmem>>, vector<16xi32>,
      %get3A_1153 = arith.constant 432 : index
      %get3A_1154 = tpu.vector_load %arg16[%get3A_1153] {strides = array<i32>} : memref<2048xi32, #tpu.memory_space<vmem>>, vector<16xi32>,
      %add3A_1155 = arith.addi %get3A_1152, %get3A_1154 : vector<16xi32>
      %get3A_1156 = arith.constant 688 : index
      %get3A_1157 = tpu.vector_load %arg16[%get3A_1156] {strides = array<i32>} : memref<2048xi32, #tpu.memory_space<vmem>>, vector<16xi32>,
      %add3A_1158 = arith.addi %add3A_1155, %get3A_1157 : vector<16xi32>
      %get3A_1159 = arith.constant 944 : index
      %get3A_1160 = tpu.vector_load %arg16[%get3A_1159] {strides = array<i32>} : memref<2048xi32, #tpu.memory_space<vmem>>, vector<16xi32>,
      %add3A_1161 = arith.addi %add3A_1158, %get3A_1160 : vector<16xi32>
      %get3A_1162 = arith.constant 1200 : index
      %get3A_1163 = tpu.vector_load %arg16[%get3A_1162] {strides = array<i32>} : memref<2048xi32, #tpu.memory_space<vmem>>, vector<16xi32>,
      %add3A_1164 = arith.addi %add3A_1161, %get3A_1163 : vector<16xi32>
      %get3A_1165 = arith.constant 1456 : index
      %get3A_1166 = tpu.vector_load %arg16[%get3A_1165] {strides = array<i32>} : memref<2048xi32, #tpu.memory_space<vmem>>, vector<16xi32>,
      %add3A_1167 = arith.addi %add3A_1164, %get3A_1166 : vector<16xi32>
      %get3A_1168 = arith.constant 1712 : index
      %get3A_1169 = tpu.vector_load %arg16[%get3A_1168] {strides = array<i32>} : memref<2048xi32, #tpu.memory_space<vmem>>, vector<16xi32>,
      %add3A_1170 = arith.addi %add3A_1167, %get3A_1169 : vector<16xi32>
      %get3A_1171 = arith.constant 1968 : index
      %get3A_1172 = tpu.vector_load %arg16[%get3A_1171] {strides = array<i32>} : memref<2048xi32, #tpu.memory_space<vmem>>, vector<16xi32>,
      %add3A_1173 = arith.addi %add3A_1170, %get3A_1172 : vector<16xi32>
      %sub3A_1174 = arith.constant 1 : i32
      %sub3A_1175 = vector.broadcast %sub3A_1174 : i32 to vector<16xi32>
      %sub3A_1176 = arith.subi %add3A_1173, %sub3A_1175 : vector<16xi32>
      %swap3A_1177 = arith.constant 176 : index
      %swap3A_1178 = tpu.vector_load %arg15[%swap3A_1177] {strides = array<i32>} : memref<256xi32, #tpu.memory_space<vmem>>, vector<16xi32>,
      tpu.vector_store %arg15[%swap3A_1177], %sub3A_1176 {strides = array<i32>} : memref<256xi32, #tpu.memory_space<vmem>>, vector<16xi32>,
      "tpu.region"() ({
        %run_scoped3A = tpu.sem_alloc : memref<!tpu.dma_semaphore, #tpu.memory_space<semaphore_mem>>
        %dma_start3A_1179 = arith.constant 0 : i32
        %dma_start3A_1180 = tpu.memref_slice %arg6[%add3A_30, %dma_start3A_1179] : memref<4x256xi32, #tpu.memory_space<hbm>> -> memref<1x256xi32, #tpu.memory_space<hbm>>
        %dma_start3A_1181 = tpu.memref_squeeze %dma_start3A_1180 : memref<1x256xi32, #tpu.memory_space<hbm>> -> memref<256xi32, #tpu.memory_space<hbm>>
        %dma_start3A_1182 = arith.constant 0 : i32
        %dma_start3A_1183 = tpu.memref_slice %arg6[%add3A_30, %dma_start3A_1182] : memref<4x256xi32, #tpu.memory_space<hbm>> -> memref<1x256xi32, #tpu.memory_space<hbm>>
        %dma_start3A_1184 = tpu.memref_squeeze %dma_start3A_1183 : memref<1x256xi32, #tpu.memory_space<hbm>> -> memref<256xi32, #tpu.memory_space<hbm>>
        tpu.enqueue_dma source(%arg15 : memref<256xi32, #tpu.memory_space<vmem>>) target(%dma_start3A_1184 : memref<256xi32, #tpu.memory_space<hbm>>) target_semaphore(%run_scoped3A : memref<!tpu.dma_semaphore, #tpu.memory_space<semaphore_mem>>)
        %dma_wait3A_1185 = arith.constant 0 : i32
        %dma_wait3A_1186 = tpu.memref_slice %arg6[%add3A_30, %dma_wait3A_1185] : memref<4x256xi32, #tpu.memory_space<hbm>> -> memref<1x256xi32, #tpu.memory_space<hbm>>
        %dma_wait3A_1187 = tpu.memref_squeeze %dma_wait3A_1186 : memref<1x256xi32, #tpu.memory_space<hbm>> -> memref<256xi32, #tpu.memory_space<hbm>>
        %dma_wait3A_1188 = arith.constant 0 : i32
        %dma_wait3A_1189 = tpu.memref_slice %arg6[%add3A_30, %dma_wait3A_1188] : memref<4x256xi32, #tpu.memory_space<hbm>> -> memref<1x256xi32, #tpu.memory_space<hbm>>
        %dma_wait3A_1190 = tpu.memref_squeeze %dma_wait3A_1189 : memref<1x256xi32, #tpu.memory_space<hbm>> -> memref<256xi32, #tpu.memory_space<hbm>>
        tpu.wait_dma2 semaphore(%run_scoped3A : memref<!tpu.dma_semaphore, #tpu.memory_space<semaphore_mem>>) src(%arg15 : memref<256xi32, #tpu.memory_space<vmem>>) dst(%dma_wait3A_1190 : memref<256xi32, #tpu.memory_space<hbm>>)
        tpu.yield
      }) : () -> ()
    } else {
    }
    %dma_wait3A_836 = arith.constant 0 : i32
    %dma_wait3A_837 = tpu.memref_slice %arg5[%add3A_35, %dma_wait3A_836] : memref<1536x196xf32, #tpu.memory_space<hbm>> -> memref<48x196xf32, #tpu.memory_space<hbm>>
    %dma_wait3A_838 = arith.constant 0 : i32
    %dma_wait3A_839 = tpu.memref_slice %arg5[%add3A_35, %dma_wait3A_838] : memref<1536x196xf32, #tpu.memory_space<hbm>> -> memref<48x196xf32, #tpu.memory_space<hbm>>
    tpu.wait_dma2 semaphore(%arg19 : memref<!tpu.dma_semaphore, #tpu.memory_space<semaphore_mem>>) src(%arg7 : memref<48x196xf32, #tpu.memory_space<vmem>>) dst(%dma_wait3A_839 : memref<48x196xf32, #tpu.memory_space<hbm>>)
    return
  }
}

</mosaic_0001>

<sc_bundles>
// kernel: kernel.3.cloned.1.call-start
scs
__scs_entry_jumppad:
0x0: {  	(pc) =	sbr.rel $0x88, $3  }
0x1: {  	(tag) =	ssettag $0x0;
	lr =	simm.s32 $0x1  }
0x2: {  	[smem:$0x3F9E] =	sst lr;
	_ =	strace $0xD0000000  }
0x3: {  	_ = 	snop  }
0x4: {  	_ = 	snop  }
0x5: {  	_ = 	snop  }
0x6: {  	_ = 	snop  }
0x7: {  	_ = 	snop  }
__scs_overlays_trampoline_lowered:
0x8: {  	[smem:$0x3FAD] =	sst s0  }
0x9: {  	[smem:$0x3FAE] =	sst s1  }
0xa: {  	[smem:$0x3FAF] =	sst s2  }
0xb: {  	[smem:$0x3FB0] =	sst s3  }
0xc: {  	[smem:$0x3FB1] =	sst s4  }
0xd: {  	[smem:$0x3FB2] =	sst s5  }
0xe: {  	[smem:$0x3FB3] =	sst s6  }
0xf: {  	[smem:$0x3FB4] =	sst s7  }
0x10: {  	[smem:$0x3FB5] =	sst s8  }
0x11: {  	[smem:$0x3FB6] =	sst s9;
	s0 =	simm.s32 @!p0 $0x0  }
0x12: {  	s1 =	sld [smem:$0x3F9C];
	s0 =	simm.s32 @p0 $0x1  }
0x13: {  	[smem:$0x3FB7] =	sst s0;
	s0 =	simm.s32 @!p1 $0x0  }
0x14: {  	s2 =	sld [smem:$0x3F9B];
	s0 =	simm.s32 @p1 $0x1  }
0x15: {  	[smem:$0x3FB8] =	sst s0;
	s0 =	simm.s32 @!p2 $0x0  }
0x16: {  	s3 =	sld [smem:$0x3FDB];
	s0 =	simm.s32 @p2 $0x1  }
0x17: {  	s4 =	simm.s32 $0x1BF5;
	[smem:$0x3FBA] =	sst s0  }
0x18: {  	s0 =	sld [smem:$0x3F9D];
	_ =	swait.ge [sflag:s4], $0x0  }
0x19: {  	s7 =	sld [smem:$0x3F9E]  }
0x1a: {  	s8 =	sadd.s32 $0xFFFFE003, lr  }
0x1b: {  	s9 =	sadd.s32 $0xFFFFFEF7, lr;
	s5 =	simm.s32 $0xFFFFFFFF;
	p2 =	slt.u32 s8, $0xFFFFF086  }
0x1c: {  	p1 =	slt.u32 s9, $0xF7A;
	s5 =	simm.s32 @!p2 $0x0  }
0x1d: {  	s5 =	simm.s32 @p1 $0x1;
	p0 =	seq.s32 s7, s2  }
0x1e: {  	s7 =	smul.u32 @!p0 $0xF7A, s2;
	p2 =	seq.s32 @!p0 s5, $0x0  }
0x1f: {  	s9 =	smul.u32 $0xF7A, s1;
	s8 =	simm.s32 @!p0 $0x1BF5;
	p2 =	por !p2, p0  }
0x20: {  	[sflag:s8] =	ssyncset.s32 @!p0 $0xFFFFF086;
	s6 =	sadd.s32 @!p0 s3, s7;
	s7 =	simm.s32 @!p0 $0x108  }
0x21: {  	s3 =	sadd.s32 s3, s9;
	s6 =	sadd.s32 @!p0 $0x88, s6;
	s7 =	simm.s32 @p2 $0x1082  }
0x22: {  	[simem:s7], [sflag:s8] =	dma.local @!p0 [hbm:s6], $0xF7A  }
0x23: {  	s9 =	sor.u32 $0xD0000000, s2;
	s6 =	simm.s32 $0x108;
	_ =	swait.ge @!p0 [sflag:s8], $0x0  }
0x24: {  	s3 =	sadd.s32 $0x88, s3;
	s6 =	simm.s32 @!p1 $0x1082;
	[sflag:s4] =	ssyncset.s32 $0xFFFFF086  }
0x25: {  	[simem:s6], [sflag:s4] =	dma.local [hbm:s3], $0xF7A  }
0x26: {  	[smem:$0x3F9E] =	sst s1;
	(tag) =	ssettag s2;
	_ =	strace s9  }
0x27: {  	s1 =	sld [smem:$0x3FAE]  }
0x28: {  	s2 =	sld [smem:$0x3FAF]  }
0x29: {  	s4 =	sld [smem:$0x3FB1]  }
0x2a: {  	p0 =	seq.s32 s5, $0x0;
	s5 =	sld [smem:$0x3FB2]  }
0x2b: {  	s6 =	sld [smem:$0x3FB3]  }
0x2c: {  	s7 =	sld [smem:$0x3FB4]  }
0x2d: {  	s3 =	simm.s32 $0x108;
	s8 =	sld [smem:$0x3FB5]  }
0x2e: {  	s3 =	simm.s32 @!p0 $0x1082;
	s9 =	sld [smem:$0x3FB6]  }
0x2f: {  	lr =	sadd.s32 s0, s3;
	s0 =	sld [smem:$0x3FAD]  }
0x30: {  	s3 =	sld [smem:$0x3FB0]  }
0x31: {  	[smem:$0x3FB9] =	sst s10  }
0x32: {  	s10 =	sld [smem:$0x3FB7];
	_ =	sdelay $0x3  }
0x33: {  	p0 =	seq.s32 s10, $0x1;
	s10 =	sld [smem:$0x3FB9];
	_ =	sdelay $0x3  }
0x34: {  	[smem:$0x3FB9] =	sst s10  }
0x35: {  	s10 =	sld [smem:$0x3FB8];
	_ =	sdelay $0x3  }
0x36: {  	p1 =	seq.s32 s10, $0x1;
	s10 =	sld [smem:$0x3FB9];
	_ =	sdelay $0x3  }
0x37: {  	[smem:$0x3FB9] =	sst s10  }
0x38: {  	s10 =	sld [smem:$0x3FBA]  }
0x39: {  	_ = 	snop;
	(pc) =	sbr.ind lr, $3  }
0x3a: {  	_ = 	snop  }
0x3b: {  	_ = 	snop  }
0x3c: {  	p2 =	seq.s32 s10, $0x1;
	s10 =	sld [smem:$0x3FB9]  }
0x3d: {  	_ =	shalt  }
0x3e: {  	_ =	shalt  }
0x3f: {  	_ =	shalt  }
0x40: {  	_ =	shalt  }
0x41: {  	_ =	shalt  }
0x42: {  	_ =	shalt  }
0x43: {  	_ =	shalt  }
0x44: {  	_ =	shalt  }
0x45: {  	_ =	shalt  }
0x46: {  	_ =	shalt  }
0x47: {  	_ =	shalt  }
0x48: {  	_ =	shalt  }
0x49: {  	_ =	shalt  }
0x4a: {  	_ =	shalt  }
0x4b: {  	_ =	shalt  }
0x4c: {  	_ =	shalt  }
0x4d: {  	_ =	shalt  }
0x4e: {  	_ =	shalt  }
0x4f: {  	_ =	shalt  }
0x50: {  	_ =	shalt  }
0x51: {  	_ =	shalt  }
0x52: {  	_ =	shalt  }
0x53: {  	_ =	shalt  }
0x54: {  	_ =	shalt  }
0x55: {  	_ =	shalt  }
0x56: {  	_ =	shalt  }
0x57: {  	_ =	shalt  }
0x58: {  	_ =	shalt  }
0x59: {  	_ =	shalt  }
0x5a: {  	_ =	shalt  }
0x5b: {  	_ =	shalt  }
0x5c: {  	_ =	shalt  }
0x5d: {  	_ =	shalt  }
0x5e: {  	_ =	shalt  }
0x5f: {  	_ =	shalt  }
0x60: {  	_ =	shalt  }
0x61: {  	_ =	shalt  }
0x62: {  	_ =	shalt  }
0x63: {  	_ =	shalt  }
0x64: {  	_ =	shalt  }
0x65: {  	_ =	shalt  }
0x66: {  	_ =	shalt  }
0x67: {  	_ =	shalt  }
0x68: {  	_ =	shalt  }
0x69: {  	_ =	shalt  }
0x6a: {  	_ =	shalt  }
0x6b: {  	_ =	shalt  }
0x6c: {  	_ =	shalt  }
0x6d: {  	_ =	shalt  }
0x6e: {  	_ =	shalt  }
0x6f: {  	_ =	shalt  }
0x70: {  	_ =	shalt  }
0x71: {  	_ =	shalt  }
0x72: {  	_ =	shalt  }
0x73: {  	_ =	shalt  }
0x74: {  	_ =	shalt  }
0x75: {  	_ =	shalt  }
0x76: {  	_ =	shalt  }
0x77: {  	_ =	shalt  }
0x78: {  	_ =	shalt  }
0x79: {  	_ =	shalt  }
0x7a: {  	_ =	shalt  }
0x7b: {  	_ =	shalt  }
0x7c: {  	_ =	shalt  }
0x7d: {  	_ =	shalt  }
0x7e: {  	_ =	shalt  }
0x7f: {  	_ =	shalt  }
0x80: {  	_ =	shalt  }
0x81: {  	_ =	shalt  }
0x82: {  	_ =	shalt  }
0x83: {  	_ =	shalt  }
0x84: {  	_ =	shalt  }
0x85: {  	_ =	shalt  }
0x86: {  	_ =	shalt  }
0x87: {  	_ =	shalt  }
.Lfunc_end0:
.L_simem_size_0:
called_computation_lowered:
.L_overlay_start_0:
0x88: {  	s2 =	sld [smem:$0x3FD9]  }
0x89: {  	s3 =	sld [smem:$0x3FFE];
	_ =	sdelay $0x1  }
0x8a: {  	s1 =	srdreg.scid  }
0x8b: {  	s0 =	sand.u32 $0x1, s1  }
0x8c: {  	s14 =	sshll.u32 s0, $0xA;
	s2 =	sadd.s32 s3, s2  }
0x8d: {  	s2 =	sadd.s32 s2, s14  }
0x8e: {  	[smem:$0x3FC5] =	sst s2  }
0x8f: {  	_ = 	snop  }
0x90: {  	s2 =	sld [smem:$0x3FD0];
	_ =	sdelay $0x2  }
0x91: {  	s15 =	simm.s32 $0xA;
	s4 =	simm.s32 $0x10  }
0x92: {  	[smem:s4], [sflag:s15] =	dma.local [hbm:s2], $0x1  }
0x93: {  	_ =	swait.eq [sflag:s15], $0x1  }
0x94: {  	[sflag:s15] =	ssyncset.done $0x0  }
0x95: {  	s16 =	sld [smem:$0x10];
	[sflag:s15] =	ssyncadd.s32 $0xFFFFFFFF  }
0x96: {  	s17 =	sld [smem:$0x11];
	(tm) =	ssettm $0x1  }
0x97: {  	s18 =	sld [smem:$0x3FFB];
	_ =	sdelay $0x3  }
0x98: {  	_ =	strace s18  }
0x99: {  	s4 =	sld [smem:$0x3FFC];
	_ =	sdelay $0x3  }
0x9a: {  	_ =	strace s4  }
0x9b: {  	s4 =	sld [smem:$0x3FFD];
	_ =	sdelay $0x3  }
0x9c: {  	_ =	strace s4  }
0x9d: {  	_ =	strace $0x8FFFFFFF  }
0x9e: {  	s19 =	sld [smem:$0x3FDB];
	_ =	sdelay $0x1  }
0x9f: {  	s5 =	simm.s32 $_scs_section_size  }
0xa0: {  	s6 =	simm.s32 $_size__tile_overlayer_lowered;
	s7 =	simm.s32 $_tile_overlayer_lowered  }
0xa1: {  	s22 =	simm.s32 $0x1BFF;
	s21 =	sshll.u32 s7, $0x1;
	s4 =	sadd.s32 s5, s19  }
0xa2: {  	s8 =	simm.s32 $0x0;
	s20 =	sshll.u32 s6, $0x1;
	s6 =	sadd.s32 s21, s4  }
0xa3: {  	[timem:s8], [sflag:s22] =	dma.local [hbm:s6], s20  }
0xa4: {  	_ =	swait.ge [sflag:s22], s20  }
0xa5: {  	s5 =	ssub.s32 $0x0, s20;
	[sflag:s22] =	ssyncset.done $0x0  }
0xa6: {  	[sflag:s22] =	ssyncadd.s32 s5;
	_ =	sdelay $0x1  }
0xa7: {  	s23 =	simm.s32 $0x1B8B  }
0xa8: {  	_ =	swait.ge [sflag:s23], $0x1  }
0xa9: {  	[sflag:s23] =	ssyncset.done $0x0  }
0xaa: {  	s25 =	simm.s32 $0x1B8E;
	s24 =	sld [smem:$0x3FFE];
	[sflag:s23] =	ssyncadd.s32 $0xFFFFFFFF  }
0xab: {  	s26 =	simm.s32 $execute0_lowered;
	[smem:$0x3FD2] =	sst s25  }
0xac: {  	s6 =	sshll.u32 s26, $0x1;
	_ =	strace $0x80000046;
	[dreg:$0x1] =	wrdreg $0xFFFFFFFF  }
0xad: {  	s28 =	simm.s32 $_size_execute0_lowered;
	s4 =	sadd.s32 s4, s6;
	[dreg:$0x0] =	wrdreg $0x0  }
0xae: {  	s6 =	sshll.u32 s28, $0x1;
	[dreg:$0x2] =	wrdreg s4  }
0xaf: {  	[dreg:$0x3] =	wrdreg s6  }
0xb0: {  	[dreg:$0x4] =	wrdreg $0xC0  }
0xb1: {  	_ =	task [dreg:s8], $0x5FFFF  }
0xb2: {  	[dreg:$0x1] =	wrdreg $0xFFFFFFFF  }
0xb3: {  	[dreg:$0x0] =	wrdreg $0x60  }
0xb4: {  	[dreg:$0x2] =	wrdreg s24  }
0xb5: {  	[dreg:$0x3] =	wrdreg s16  }
0xb6: {  	[dreg:$0x4] =	wrdreg s17  }
0xb7: {  	[dreg:$0x5] =	wrdreg $0x3D800  }
0xb8: {  	[dreg:$0x6] =	wrdreg $0x3DB00  }
0xb9: {  	[dreg:$0x7] =	wrdreg $0x9  }
0xba: {  	_ =	task.clear_ibuf [dreg:s8], $0x8FFFF;
	_ =	strace $0x90000046  }
0xbb: {  	s29 =	simm.s32 $0x9;
	_ =	strace $0x80000048  }
0xbc: {  	_ =	swait.ge [sflag:s29], $0x1  }
0xbd: {  	[sflag:s29] =	ssyncadd.s32 $0xFFFFFFFF  }
0xbe: {  	_ =	strace $0x90000048  }
0xbf: {  	_ =	sfence  }
0xc0: {  	s30 =	sld [smem:$0x0];
	_ =	sdelay $0x2  }
0xc1: {  	s31 =	sshll.u32 s1, $0xD;
	s1 =	sshrl.u32 s1, $0x2  }
0xc2: {  	s3 =	sand.u32 $0x4000, s31;
	s1 =	sadd.s32 s1, s30  }
0xc3: {  	s0 =	sor.u32 s3, s0;
	s1 =	sshll.u32 s1, $0x11  }
0xc4: {  	s0 =	sor.u32 s1, s0  }
0xc5: {  	s0 =	sadd.s32 $0x8F2B, s0  }
0xc6: {  	[sflag:s0] =	ssyncadd.remote.s32 $0x1  }
0xc7: {  	_ =	sfence.sel $0xFFFF  }
0xc8: {  	[dreg:$0x0] =	wrdreg $0xFFFFFFFF;
	(pc) =	sbr.abs _section_cstart, $3  }
0xc9: {  	[dreg:$0x1] =	wrdreg $0xFFFFFFFF  }
0xca: {  	_ =	task.clear_ibuf [dreg:s8], $0x2FFFF;
	_ =	strace $0x9FFFFFFF  }
0xcb: {  	(tm) =	ssettm $0x7FFFFFFF  }
tec
execute0_lowered:
.L_overlay_start_1:
0x0: {  	(tag) =	ssettag $0x1  }
0x1: {  	v3 =	vlaneseq.u32  }
0x2: {  	v8 =	vimm.s32 $0x0;
	v9 =	vimm.s32 $0x12100E0C;
	vm0 =	vcmask $0x300  }
0x3: {  	v10 =	vimm.s32 $0x62;
	v12 =	vimm.s32 $0x13110F0D;
	v13 =	vimm.s32 $0x1B191715  }
0x4: {  	vm1 =	vcmask $0x1F10;
	v23 =	vimm.s32 $0xA8642000;
	v24 =	vimm.s32 $0xB9753111  }
0x5: {  	vm2 =	vcmask $0x2B28;
	v27 =	vimm.s32 $0x62605E5C;
	v28 =	vimm.s32 $0x63615F5D  }
0x6: {  	v1 =	vor.u32 $0x10, v3;
	v2 =	vor.u32 $0x20, v3;
	v4 =	vadd.s32 $0x1, v3  }
0x7: {  	v5 =	vadd.s32 $0x11, v3;
	v6 =	vadd.s32 $0x21, v3;
	v11 =	vunpack.c.0.s8.s32 v9  }
0x8: {  	v9 =	vimm.s32 $0x1A181614;
	v12 =	vunpack.c.0.s8.s32 v12;
	v13 =	vunpack.c.0.s8.s32 v13  }
0x9: {  	s4 =	stileid.u32;
	v23 =	vunpack.c.l.s4.s8 v23;
	v24 =	vunpack.c.l.s4.s8 v24;
	v27 =	vunpack.c.0.s8.s32 v27  }
0xa: {  	s22 =	sand.u32 $0x7, s4;
	v14 =	vunpack.c.0.s8.s32 v9;
	v9 =	vsel vm0, $0x60, v10;
	v10 =	vimm.s32 $0x63  }
0xb: {  	v28 =	vunpack.c.0.s8.s32 v28;
	s7 =	smul.u32 $0x30, s22;
	v10 =	vsel vm0, $0x61, v10;
	v19 =	vsel vm1, v13, v12  }
0xc: {  	v13 =	vimm.s32 $0xB80;
	v23 =	vunpack.c.0.s8.s32 v23;
	v24 =	vunpack.c.0.s8.s32 v24  }
0xd: {  	v0 =	vor.u32 s7, v3;
	v3 =	vmul.u32 $0x2, v3;
	v4 =	vadd.s32 s7, v4  }
0xe: {  	v5 =	vadd.s32 s7, v5;
	v6 =	vadd.s32 s7, v6;
	v18 =	vsel vm1, v14, v11  }
0xf: {  	vm1 =	vcmask $0x700;
	v11 =	vimm.f32 $-3.000000120e-01;
	v13 =	vsel vm0, $0x0, v13  }
0x10: {  	v14 =	vimm.s32 $0x2B80;
	v12 =	vsel vm1, $0x3F333333, v11;
	vm1 =	vcmask $0x704  }
0x11: {  	v17 =	vsel vm0, $0x2000, v14;
	v23 =	vand.u32 $0xF, v23;
	v7 =	vor.u32 $0x1, v3  }
0x12: {  	v15 =	vsel vm1, $0x80, v13;
	v13 =	vimm.s32 $0x1B80;
	v14 =	vor.u32 $0x20, v3  }
0x13: {  	v17 =	vsel vm1, $0x2080, v17;
	v16 =	vsel vm0, $0x1000, v13;
	vm0 =	vcmask $0xB08  }
0x14: {  	s0 =	rddreg [dreg:$0x0];
	v53 =	vor.u32 $0x41, v3;
	v18 =	vcombine.low v23, v18;
	v20 =	vsel vm0, $0x100, v15  }
0x15: {  	s1 =	rddreg [dreg:$0x1];
	v21 =	vsel vm1, $0x1080, v16;
	vm1 =	vcmask $0xF0C;
	v22 =	vsel vm0, $0x2100, v17  }
0x16: {  	s13 =	rddreg [dreg:$0x2];
	s2 =	srdreg.scid;
	v20 =	vsel vm1, $0x180, v20;
	v21 =	vsel vm0, $0x1100, v21;
	vm0 =	vcmask $0x1310  }
0x17: {  	s5 =	rddreg [dreg:$0x3];
	s3 =	sand.u32 $0x1, s2;
	s2 =	simm.s32 $0x0;
	v23 =	vand.u32 $0xF, v24;
	v22 =	vsel vm1, $0x2180, v22;
	v20 =	vsel vm0, $0x200, v20  }
0x18: {  	[smem:$0x7FF] =	sst s2;
	[tilespmem:$0x1FED0] =	vst v9;
	v21 =	vsel vm1, $0x1180, v21;
	vm1 =	vcmask $0x1714;
	v22 =	vsel vm0, $0x2200, v22  }
0x19: {  	s9 =	rddreg [dreg:$0x4];
	_ =	strace $0x80000047;
	[tilespmem:$0x1FF30] =	vst v10;
	v20 =	vsel vm1, $0x280, v20;
	v21 =	vsel vm0, $0x1200, v21;
	vm0 =	vcmask $0x1B18  }
0x1a: {  	[tilespmem:$0x1FEF0] =	vst v4;
	v19 =	vcombine.low v23, v19;
	v22 =	vsel vm1, $0x2280, v22;
	v20 =	vsel vm0, $0x300, v20  }
0x1b: {  	[tilespmem:$0x1FF00] =	vst v5;
	v21 =	vsel vm1, $0x1280, v21;
	vm1 =	vcmask $0x1F1C;
	v22 =	vsel vm0, $0x2300, v22  }
0x1c: {  	[tilespmem:$0x1FF10] =	vst v6;
	v20 =	vsel vm1, $0x380, v20;
	v21 =	vsel vm0, $0x1300, v21;
	vm0 =	vcmask $0x2320  }
0x1d: {  	s12 =	simm.s32 $0x3080;
	s17 =	simm.s32 $0x3100;
	[tilespmem:$0x1FEE0] =	vst v3;
	v15 =	vor.u32 $0x21, v3;
	v22 =	vsel vm1, $0x2380, v22;
	v20 =	vsel vm0, $0x800, v20  }
0x1e: {  	s16 =	simm.s32 $0x1;
	s18 =	simm.s32 $0x3180;
	s19 =	simm.s32 $0x3200;
	[tilespmem:$0x1FF40] =	vst v12;
	v21 =	vsel vm1, $0x1380, v21;
	vm1 =	vcmask $0x2724;
	v22 =	vsel vm0, $0x2800, v22  }
0x1f: {  	s20 =	simm.s32 $0x3280;
	s21 =	simm.s32 $0x3400;
	s24 =	simm.s32 $0x80;
	[tilespmem:$0x1FF20] =	vst v7;
	v20 =	vsel vm1, $0x880, v20;
	v21 =	vsel vm0, $0x1800, v21;
	v22 =	vsel vm1, $0x2880, v22  }
0x20: {  	s25 =	simm.s32 $0x200;
	s8 =	sshrl.u32 s4, $0x3;
	s26 =	sshll.u32 s3, $0x1;
	[tilespmem:$0x1FF50] =	vst v14;
	v21 =	vsel vm1, $0x1880, v21;
	v23 =	vsel vm2, $0x900, v20;
	vm1 =	vcmask $0x2F2C  }
0x21: {  	s3 =	ssub.s32 $0x2, s3;
	s29 =	smul.u32 $0x600, s8;
	s30 =	sshll.u32 s8, $0xB;
	[tilespmem:$0x1FF80] =	vst v53;
	v22 =	vsel vm2, $0x2900, v22;
	v24 =	vsel vm2, $0x1900, v21;
	v25 =	vsel vm1, $0x980, v23  }
0x22: {  	s31 =	sshll.u32 s22, $0x8;
	p0 =	sne.s32 s22, $0x0;
	s22 =	simm.s32 $0x3480;
	[tilespmem:$0x1FF90] =	vst v18;
	v26 =	vsel vm1, $0x2980, v22;
	v24 =	vsel vm1, $0x1980, v24;
	vm1 =	vcmask $0x3330  }
0x23: {  	s4 =	sor.u32 s8, s26;
	s11 =	sshrl.u32 s3, $0x1;
	s9 =	sadd.s32 s30, s9;
	v1 =	vadd.s32 s7, v1;
	v16 =	vor.u32 $0x40, v3;
	[tilespmem:$0x1FF60] =	vst v15;
	v25 =	vsel vm1, $0xA00, v25  }
0x24: {  	s26 =	simm.s32 $0x0;
	s6 =	smul.u32 $0x180, s4;
	s14 =	sshll.u32 s4, $0x4;
	[tilespmem:$0x1FF70] =	vst v16;
	v24 =	vsel vm1, $0x1A00, v24;
	v26 =	vsel vm1, $0x2A00, v26;
	vm1 =	vcmask $0x3734  }
0x25: {  	s15 =	ssub.s32 s3, s11;
	s11 =	simm.s32 $0x3000;
	s10 =	sadd.s32 s14, s0;
	[tilespmem:$0x1FFA0] =	vst v19;
	v20 =	vadd.s32 $0x1C, v3;
	v21 =	vadd.s32 $0x1D, v3;
	v25 =	vsel vm1, $0xA80, v25  }
.Ltmp0:
0x26: {  	s28 =	sadd.s32 s7, s6;
	s6 =	sshrl.u32 s29, $0x2;
	[tilespmem:$0x1FFB0] =	vst v20;
	v29 =	vsel vm1, $0x1A80, v24;
	v26 =	vsel vm1, $0x2A80, v26;
	vm1 =	vcmask $0x3B38;
	(pc) =	sbr.rel .LBB2_1-.Ltmp0, $4  }
0x27: {  	s13 =	sadd.s32 s13, s14;
	s4 =	sshll.u32 s28, $0x5;
	s5 =	sadd.s32 s6, s5;
	v22 =	vadd.s32 $0x3C, v3;
	v23 =	vadd.s32 $0x3D, v3;
	[tilespmem:$0x1FFC0] =	vst v21;
	v24 =	vsel vm1, $0xB00, v25  }
0x28: {  	s6 =	sadd.s32 $0x800, s10;
	s10 =	sadd.s32 s31, s9;
	s0 =	sadd.s32 s4, s0;
	[tilespmem:$0x1FFD0] =	vst v22;
	v25 =	vsel vm1, $0x1B00, v29;
	v26 =	vsel vm1, $0x2B00, v26;
	vm1 =	vcmask $0xF00  }
0x29: {  	v2 =	vadd.s32 s7, v2;
	v13 =	vimm.f32 $6.999999880e-01;
	s4 =	sadd.s32 s1, s14;
	s7 =	sadd.s32 s7, s5;
	s14 =	smax.u32 s15, $0x1;
	[tilespmem:$0x1FFE0] =	vst v23;
	v27 =	vnsel vm1, $0x62, v27  }
0x2a: {  	s15 =	simm.s32 $0x2;
	v17 =	vimm.f32 $0.0e+00;
	s3 =	sadd.s32 $0xA00, s0;
	s8 =	sadd.s32 $0xCA00, s0;
	vm0 =	vmmov $0x3;
	v28 =	vnsel vm1, $0x63, v28;
	[tilespmem:$0x1FFF0] =	vst v27  }
.LBB2_9:
0x2b: {  	s26 =	sadd.s32 $0x1, s26  }
0x2c: {  	p1 =	sne.s32 s26, s14  }
.Ltmp1:
0x2d: {  	_ = 	snop;
	(pc) =	sbr.rel @!p1 .LBB2_10-.Ltmp1, $4  }
0x2e: {  	_ = 	snop  }
0x2f: {  	_ =	swait.ge [sflag:s16], $0x3000  }
0x30: {  	[sflag:s16] =	ssyncset.done $0x0  }
0x31: {  	[sflag:s16] =	ssyncadd.s32 $0xFFFFD000  }
.LBB2_1:
0x32: {  	[tilespmem:s2], [sflag:$0x1] =	stream.linear.gather [hbm4b:s3+s2], $0x3000, $0x38;
	[tilespmem:$0x3EB0] =	vst v63  }
0x33: {  	_ = 	snop  }
0x34: {  	[tilespmem:s11], [sflag:$0x2] =	stream.linear.gather [hbm4b:s4+s2], $0x80, $0x38;
	[tilespmem:$0x3EB0] =	vst v63  }
0x35: {  	_ =	swait.ge [sflag:s15], $0x80  }
0x36: {  	[sflag:s15] =	ssyncset.done $0x0  }
0x37: {  	[sflag:s15] =	ssyncadd.s32 $0xFFFFFF80  }
0x38: {  	[tilespmem:s12], [sflag:$0x2] =	stream.linear.gather [hbm4b:s6+s2], $0x80, $0x38;
	[tilespmem:$0x3EB0] =	vst v63  }
0x39: {  	_ =	swait.ge [sflag:s15], $0x80  }
0x3a: {  	[sflag:s15] =	ssyncset.done $0x0  }
0x3b: {  	[sflag:s15] =	ssyncadd.s32 $0xFFFFFF80  }
0x3c: {  	v30 =	vld.idx.msk [tilespmem:v3+s11+$0x0], $0xffff  }
0x3d: {  	v31 =	vld.idx.msk [tilespmem:v7+s11+$0x0], $0xffff;
	_ =	sdelay $0x3  }
0x3e: {  	v32 =	vshra.s32 v30, $0x1F;
	v33 =	vand.u32 $0xF, v30  }
0x3f: {  	vm2 =	vlt.s32 v30, $0x1;
	v47 =	vshra.s32 v31, $0x1F;
	v34 =	vand.u32 $0xF, v31  }
0x40: {  	v32 =	vshrl.u32 v32, $0x1C;
	vm3 =	vne.s32 v33, $0x0;
	v33 =	vshrl.u32 v47, $0x1C  }
0x41: {  	v32 =	vadd.s32 v32, v30;
	vm2 =	vmand vm2, vm3;
	vm3 =	vne.s32 v34, $0x0  }
0x42: {  	v30 =	vshra.s32 v32, $0x4;
	v46 =	vsel vm2, $0xFFFFFFFF, v8;
	vm2 =	vlt.s32 v31, $0x1  }
0x43: {  	v31 =	vadd.s32 v33, v31;
	v30 =	vadd.s32 v46, v30;
	vm2 =	vmand vm2, vm3  }
0x44: {  	v31 =	vshra.s32 v31, $0x4;
	v30 =	vmul.u32 $0xE, v30;
	v48 =	vsel vm2, $0xFFFFFFFF, v8  }
0x45: {  	v31 =	vadd.s32 v48, v31  }
0x46: {  	[tilespmem:$0x3180] =	vst v13;
	v30 =	vadd.s32 v30, v31  }
0x47: {  	[tilespmem:$0x3100] =	vst v30  }
0x48: {  	v30 =	vld.idx.msk [tilespmem:v14+s11+$0x0], $0xffff  }
0x49: {  	v31 =	vld.idx.msk [tilespmem:v15+s11+$0x0], $0xffff;
	_ =	sdelay $0x3  }
0x4a: {  	v49 =	vshra.s32 v30, $0x1F;
	v50 =	vand.u32 $0xF, v30  }
0x4b: {  	vm2 =	vlt.s32 v30, $0x1;
	v52 =	vshra.s32 v31, $0x1F;
	v54 =	vand.u32 $0xF, v31  }
0x4c: {  	v32 =	vshrl.u32 v49, $0x1C;
	vm3 =	vne.s32 v50, $0x0;
	v33 =	vshrl.u32 v52, $0x1C  }
0x4d: {  	v32 =	vadd.s32 v32, v30;
	vm2 =	vmand vm2, vm3;
	vm3 =	vne.s32 v54, $0x0  }
0x4e: {  	v30 =	vshra.s32 v32, $0x4;
	v51 =	vsel vm2, $0xFFFFFFFF, v8;
	vm2 =	vlt.s32 v31, $0x1  }
0x4f: {  	v31 =	vadd.s32 v33, v31;
	v30 =	vadd.s32 v51, v30;
	vm2 =	vmand vm2, vm3  }
0x50: {  	v31 =	vshra.s32 v31, $0x4;
	v30 =	vmul.u32 $0xE, v30;
	v55 =	vsel vm2, $0xFFFFFFFF, v8  }
0x51: {  	v31 =	vadd.s32 v55, v31  }
0x52: {  	[tilespmem:$0x3190] =	vst v13;
	v30 =	vadd.s32 v30, v31  }
0x53: {  	[tilespmem:$0x3110] =	vst v30  }
0x54: {  	v30 =	vld.idx.msk [tilespmem:v16+s11+$0x0], $0xffff  }
0x55: {  	v31 =	vld.idx.msk [tilespmem:v53+s11+$0x0], $0xffff;
	_ =	sdelay $0x3  }
0x56: {  	v56 =	vshra.s32 v30, $0x1F;
	v57 =	vand.u32 $0xF, v30  }
0x57: {  	vm2 =	vlt.s32 v30, $0x1;
	v59 =	vshra.s32 v31, $0x1F;
	v60 =	vand.u32 $0xF, v31  }
0x58: {  	v9 =	vld [tilespmem:$0x1FED0];
	v32 =	vshrl.u32 v56, $0x1C;
	vm3 =	vne.s32 v57, $0x0;
	v33 =	vshrl.u32 v59, $0x1C  }
0x59: {  	v32 =	vadd.s32 v32, v30;
	vm2 =	vmand vm2, vm3;
	vm3 =	vne.s32 v60, $0x0  }
0x5a: {  	v30 =	vshra.s32 v32, $0x4;
	v58 =	vsel vm2, $0xFFFFFFFF, v8;
	vm2 =	vlt.s32 v31, $0x1  }
0x5b: {  	v31 =	vadd.s32 v33, v31;
	v30 =	vadd.s32 v58, v30;
	vm2 =	vmand vm2, vm3  }
0x5c: {  	v31 =	vshra.s32 v31, $0x4;
	v30 =	vmul.u32 $0xE, v30;
	v61 =	vsel vm2, $0xFFFFFFFF, v8  }
0x5d: {  	v31 =	vadd.s32 v61, v31  }
0x5e: {  	[tilespmem:$0x31A0] =	vst v13;
	v30 =	vadd.s32 v30, v31  }
0x5f: {  	[tilespmem:$0x3120] =	vst v30  }
0x60: {  	v30 =	vld.idx.msk [tilespmem:v9+s11+$0x0], $0xffff  }
0x61: {  	v31 =	vld.idx.msk [tilespmem:v18+s12+$0x0], $0xffff;
	_ =	sdelay $0x2  }
0x62: {  	v62 =	vld.idx.msk [tilespmem:v10+s11+$0x0], $0xffff  }
0x63: {  	v63 =	vld.idx.msk [tilespmem:v19+s12+$0x0], $0xffff  }
0x64: {  	v30 =	vsel vm0, v30, v31  }
0x65: {  	v31 =	vshra.s32 v30, $0x1F  }
0x66: {  	v36 =	vand.u32 $0xF, v30;
	v31 =	vshrl.u32 v31, $0x1C  }
0x67: {  	vm2 =	vlt.s32 v30, $0x1;
	vm3 =	vne.s32 v36, $0x0;
	v31 =	vadd.s32 v31, v30  }
0x68: {  	v30 =	vsel vm0, v62, v63;
	vm2 =	vmand vm2, vm3;
	v31 =	vshra.s32 v31, $0x4  }
0x69: {  	v37 =	vsel vm2, $0xFFFFFFFF, v8;
	v33 =	vshra.s32 v30, $0x1F;
	v38 =	vand.u32 $0xF, v30  }
0x6a: {  	vm2 =	vlt.s32 v30, $0x1;
	v33 =	vshrl.u32 v33, $0x1C;
	vm3 =	vne.s32 v38, $0x0  }
0x6b: {  	v31 =	vadd.s32 v37, v31;
	v30 =	vadd.s32 v33, v30;
	vm2 =	vmand vm2, vm3  }
0x6c: {  	v31 =	vmul.u32 $0xE, v31;
	v30 =	vshra.s32 v30, $0x4;
	v39 =	vsel vm2, $0xFFFFFFFF, v8  }
0x6d: {  	v30 =	vadd.s32 v39, v30  }
0x6e: {  	[tilespmem:$0x31B0] =	vst v12;
	v30 =	vadd.s32 v31, v30  }
0x6f: {  	[tilespmem:$0x3130] =	vst v30  }
0x70: {  	v30 =	vld.idx.msk [tilespmem:v20+s12+$0x0], $0xffff  }
0x71: {  	v31 =	vld.idx.msk [tilespmem:v21+s12+$0x0], $0xffff;
	_ =	sdelay $0x3  }
0x72: {  	v40 =	vshra.s32 v30, $0x1F;
	v41 =	vand.u32 $0xF, v30  }
0x73: {  	vm2 =	vlt.s32 v30, $0x1;
	v43 =	vshra.s32 v31, $0x1F;
	v44 =	vand.u32 $0xF, v31  }
0x74: {  	v32 =	vshrl.u32 v40, $0x1C;
	vm3 =	vne.s32 v41, $0x0;
	v33 =	vshrl.u32 v43, $0x1C  }
0x75: {  	v32 =	vadd.s32 v32, v30;
	vm2 =	vmand vm2, vm3;
	vm3 =	vne.s32 v44, $0x0  }
0x76: {  	v30 =	vshra.s32 v32, $0x4;
	v42 =	vsel vm2, $0xFFFFFFFF, v8;
	vm2 =	vlt.s32 v31, $0x1  }
0x77: {  	v31 =	vadd.s32 v33, v31;
	v30 =	vadd.s32 v42, v30;
	vm2 =	vmand vm2, vm3  }
0x78: {  	v31 =	vshra.s32 v31, $0x4;
	v30 =	vmul.u32 $0xE, v30;
	v45 =	vsel vm2, $0xFFFFFFFF, v8  }
0x79: {  	v31 =	vadd.s32 v45, v31  }
0x7a: {  	[tilespmem:$0x31C0] =	vst v11;
	v30 =	vadd.s32 v30, v31  }
0x7b: {  	[tilespmem:$0x3140] =	vst v30  }
0x7c: {  	v30 =	vld.idx.msk [tilespmem:v22+s12+$0x0], $0xffff  }
0x7d: {  	v31 =	vld.idx.msk [tilespmem:v23+s12+$0x0], $0xffff;
	_ =	sdelay $0x3  }
0x7e: {  	v46 =	vshra.s32 v30, $0x1F;
	v47 =	vand.u32 $0xF, v30  }
0x7f: {  	vm2 =	vlt.s32 v30, $0x1;
	v49 =	vshra.s32 v31, $0x1F;
	v50 =	vand.u32 $0xF, v31  }
0x80: {  	v32 =	vshrl.u32 v46, $0x1C;
	vm3 =	vne.s32 v47, $0x0;
	v33 =	vshrl.u32 v49, $0x1C  }
0x81: {  	v32 =	vadd.s32 v32, v30;
	vm2 =	vmand vm2, vm3;
	vm3 =	vne.s32 v50, $0x0  }
0x82: {  	v30 =	vshra.s32 v32, $0x4;
	v48 =	vsel vm2, $0xFFFFFFFF, v8;
	vm2 =	vlt.s32 v31, $0x1  }
0x83: {  	v31 =	vadd.s32 v33, v31;
	v30 =	vadd.s32 v48, v30;
	vm2 =	vmand vm2, vm3  }
0x84: {  	v31 =	vshra.s32 v31, $0x4;
	v30 =	vmul.u32 $0xE, v30;
	v51 =	vsel vm2, $0xFFFFFFFF, v8  }
0x85: {  	v31 =	vadd.s32 v51, v31  }
0x86: {  	[tilespmem:$0x31D0] =	vst v11;
	v30 =	vadd.s32 v30, v31  }
0x87: {  	[tilespmem:$0x3150] =	vst v30  }
0x88: {  	v30 =	vld.idx.msk [tilespmem:v27+s12+$0x0], $0xffff  }
0x89: {  	v31 =	vld.idx.msk [tilespmem:v28+s12+$0x0], $0xffff;
	_ =	sdelay $0x3  }
0x8a: {  	v52 =	vshra.s32 v30, $0x1F;
	v54 =	vand.u32 $0xF, v30  }
0x8b: {  	vm2 =	vlt.s32 v30, $0x1;
	v56 =	vshra.s32 v31, $0x1F;
	v57 =	vand.u32 $0xF, v31  }
0x8c: {  	v32 =	vshrl.u32 v52, $0x1C;
	vm3 =	vne.s32 v54, $0x0;
	v33 =	vshrl.u32 v56, $0x1C  }
0x8d: {  	v32 =	vadd.s32 v32, v30;
	vm2 =	vmand vm2, vm3;
	vm3 =	vne.s32 v57, $0x0  }
0x8e: {  	v30 =	vshra.s32 v32, $0x4;
	v55 =	vsel vm2, $0xFFFFFFFF, v8;
	vm2 =	vlt.s32 v31, $0x1  }
0x8f: {  	v31 =	vadd.s32 v33, v31;
	v30 =	vadd.s32 v55, v30;
	vm2 =	vmand vm2, vm3  }
0x90: {  	v31 =	vshra.s32 v31, $0x4;
	v30 =	vmul.u32 $0xE, v30;
	v58 =	vsel vm2, $0xFFFFFFFF, v8  }
0x91: {  	v31 =	vadd.s32 v58, v31  }
0x92: {  	v30 =	vadd.s32 v30, v31  }
0x93: {  	v31 =	vmov s2;
	[tilespmem:$0x3160] =	vst v30;
	v30 =	vsel vm1, $0xBE99999A, v17  }
0x94: {  	[tilespmem:$0x31E0] =	vst v30  }
0x95: {  	_ =	swait.ge [sflag:s16], $0x3000  }
0x96: {  	s0 =	simm.s32 $0x1;
	[sflag:s16] =	ssyncset.done $0x0  }
0x97: {  	v59 =	vmov s0;
	[sflag:s16] =	ssyncadd.s32 $0xFFFFD000  }
0x98: {  	v30 =	vld.idx.msk [tilespmem:v31+s17+$0x0], $0xffff;
	_ =	sdelay $0x3  }
0x99: {  	v35 =	vld.idx.msk [tilespmem:v59+s17+$0x0], $0xffff  }
0x9a: {  	s29 =	simm.s32 $0x2;
	v60 =	vshll.u32 v30, $0x3  }
0x9b: {  	v33 =	vmov s29;
	v30 =	vand.u32 $0x7F, v30;
	v32 =	vand.u32 $0xFFFFFC00, v60  }
0x9c: {  	v30 =	vor.u32 v30, v32  }
0x9d: {  	v32 =	vadd.s32 v26, v30  }
0x9e: {  	v36 =	vadd.s32 v24, v30;
	v37 =	vadd.s32 v25, v30;
	v30 =	vld.idx.msk [tilespmem:v31+s18+$0x0], $0xffff;
	v31 =	vshll.u32 v35, $0x3  }
0x9f: {  	v35 =	vand.u32 $0x7F, v35;
	v31 =	vand.u32 $0xFFFFFC00, v31  }
0xa0: {  	v38 =	vld.idx.msk [tilespmem:v33+s17+$0x0], $0xffff;
	v31 =	vor.u32 v35, v31  }
0xa1: {  	s30 =	simm.s32 $0x3;
	v35 =	vadd.s32 v26, v31  }
0xa2: {  	v39 =	vld.idx.msk [tilespmem:v32+s2+$0x0], $0xffff;
	v32 =	vmov s30  }
0xa3: {  	v40 =	vadd.s32 v24, v31;
	v36 =	vld.idx.msk [tilespmem:v36+s2+$0x0], $0xffff  }
0xa4: {  	v47 =	vadd.s32 v25, v31;
	v31 =	vld.idx.msk [tilespmem:v59+s18+$0x0], $0xffff  }
0xa5: {  	s31 =	simm.s32 $0x4;
	v61 =	vshll.u32 v38, $0x3;
	v41 =	vld.idx.msk [tilespmem:v37+s2+$0x0], $0xffff  }
0xa6: {  	v63 =	vand.u32 $0x7F, v38;
	v38 =	vmov s31;
	v34 =	vand.u32 $0xFFFFFC00, v61;
	v35 =	vld.idx.msk [tilespmem:v35+s2+$0x0], $0xffff  }
0xa7: {  	v37 =	vimm.f32 $0.0e+00;
	v44 =	vld.idx.msk [tilespmem:v32+s17+$0x0], $0xffff;
	v62 =	vmul.f32 v39, v30;
	v39 =	vor.u32 v63, v34  }
0xa8: {  	v43 =	vmul.f32 v36, v30;
	v36 =	vld.idx.msk [tilespmem:v40+s2+$0x0], $0xffff;
	v40 =	vimm.f32 $0.0e+00;
	v45 =	vadd.s32 v24, v39  }
0xa9: {  	s1 =	simm.s32 $0x5;
	v42 =	vadd.s32 v25, v39;
	v46 =	vadd.s32 v26, v39;
	v39 =	vld.idx.msk [tilespmem:v47+s2+$0x0], $0xffff;
	v34 =	vadd.f32 v62, v17  }
.LBB2_2:
0xaa: {  	p1 =	sne.s32 s1, $0x63;
	v40 =	vadd.f32 v43, v40;
	v9 =	vmul.f32 v41, v30  }
0xab: {  	v30 =	vmov v31  }
.Ltmp2:
0xac: {  	v41 =	vmovc v44;
	v31 =	vld.idx.msk [tilespmem:v33+s18+$0x0], $0xffff;
	v37 =	vadd.f32 v9, v37;
	v33 =	vmov v32;
	v32 =	vmov v38;
	(pc) =	sbr.rel @p1 .LBB2_2-.Ltmp2, $4  }
0xad: {  	v47 =	vmul.f32 v35, v30;
	v44 =	vld.idx.msk [tilespmem:v38+s17+$0x0], $0xffff;
	v38 =	vshll.u32 v41, $0x3  }
0xae: {  	v9 =	vand.u32 $0x7F, v41;
	v43 =	vmul.f32 v36, v30;
	v48 =	vand.u32 $0xFFFFFC00, v38;
	v35 =	vld.idx.msk [tilespmem:v46+s2+$0x0], $0xffff  }
0xaf: {  	v38 =	vmov s1;
	v34 =	vadd.f32 v47, v34;
	v41 =	vmovc v39;
	v48 =	vor.u32 v9, v48;
	v36 =	vld.idx.msk [tilespmem:v45+s2+$0x0], $0xffff  }
0xb0: {  	s1 =	sadd.s32 $0x1, s1;
	v45 =	vadd.s32 v24, v48;
	v46 =	vadd.s32 v26, v48;
	v39 =	vld.idx.msk [tilespmem:v42+s2+$0x0], $0xffff;
	v42 =	vadd.s32 v25, v48  }
0xb1: {  	_ =	sdelay $0x3  }
0xb2: {  	v47 =	vld.idx.msk [tilespmem:v38+s17+$0x0], $0xffff  }
0xb3: {  	v48 =	vshll.u32 v44, $0x3  }
0xb4: {  	v62 =	vand.u32 $0x7F, v44;
	v48 =	vand.u32 $0xFFFFFC00, v48  }
0xb5: {  	v44 =	vor.u32 v62, v48  }
0xb6: {  	v33 =	vld.idx.msk [tilespmem:v33+s18+$0x0], $0xffff;
	v48 =	vadd.s32 v26, v44  }
0xb7: {  	v46 =	vld.idx.msk [tilespmem:v46+s2+$0x0], $0xffff;
	v49 =	vadd.s32 v24, v44;
	v50 =	vshll.u32 v47, $0x3  }
0xb8: {  	v45 =	vld.idx.msk [tilespmem:v45+s2+$0x0], $0xffff;
	v44 =	vadd.s32 v25, v44;
	v47 =	vand.u32 $0x7F, v47;
	v50 =	vand.u32 $0xFFFFFC00, v50  }
0xb9: {  	v42 =	vld.idx.msk [tilespmem:v42+s2+$0x0], $0xffff;
	v47 =	vor.u32 v47, v50  }
0xba: {  	v32 =	vld.idx.msk [tilespmem:v32+s18+$0x0], $0xffff;
	v50 =	vadd.s32 v24, v47  }
0xbb: {  	v51 =	vadd.s32 v25, v47;
	v48 =	vld.idx.msk [tilespmem:v48+s2+$0x0], $0xffff  }
0xbc: {  	v47 =	vadd.s32 v26, v47;
	v49 =	vld.idx.msk [tilespmem:v49+s2+$0x0], $0xffff  }
0xbd: {  	v30 =	vmul.f32 v41, v30;
	v63 =	vld.idx.msk [tilespmem:v44+s2+$0x0], $0xffff  }
0xbe: {  	v40 =	vadd.f32 v43, v40;
	v35 =	vmul.f32 v35, v31;
	v36 =	vmul.f32 v36, v31;
	v44 =	vld.idx.msk [tilespmem:v38+s18+$0x0], $0xffff  }
0xbf: {  	v30 =	vadd.f32 v30, v37;
	v31 =	vmul.f32 v39, v31;
	v52 =	vld.idx.msk [tilespmem:v50+s2+$0x0], $0xffff  }
0xc0: {  	v34 =	vadd.f32 v35, v34;
	v54 =	vadd.f32 v36, v40;
	v55 =	vmul.f32 v45, v33;
	v56 =	vld.idx.msk [tilespmem:v51+s2+$0x0], $0xffff  }
0xc1: {  	v30 =	vadd.f32 v31, v30;
	v31 =	vmul.f32 v46, v33;
	v33 =	vmul.f32 v42, v33;
	v57 =	vld.idx.msk [tilespmem:v47+s2+$0x0], $0xffff  }
0xc2: {  	v35 =	vadd.f32 v55, v54;
	v58 =	vmul.f32 v49, v32  }
0xc3: {  	v31 =	vadd.f32 v31, v34;
	v30 =	vadd.f32 v33, v30;
	v59 =	vmul.f32 v63, v32  }
0xc4: {  	v32 =	vmul.f32 v48, v32;
	v60 =	vadd.f32 v58, v35;
	v61 =	vmul.f32 v52, v44  }
0xc5: {  	v30 =	vadd.f32 v59, v30;
	v62 =	vmul.f32 v56, v44  }
0xc6: {  	v32 =	vadd.f32 v32, v31;
	v63 =	vmul.f32 v57, v44;
	v31 =	vadd.f32 v61, v60  }
0xc7: {  	v30 =	vadd.f32 v62, v30  }
0xc8: {  	v32 =	vadd.f32 v63, v32;
	[tilespmem:$0x3200] =	vst v31  }
0xc9: {  	[tilespmem:$0x3210] =	vst v30  }
0xca: {  	[tilespmem:$0x3220] =	vst v32  }
0xcb: {  	[spmem:s7] =	stream.linear.scatter [tilespmem:s19], [sflag:$0x2], $0x30, $0x38;
	[tilespmem:$0x3EB0] =	vst v63  }
0xcc: {  	_ =	swait.ge [sflag:s15], $0x30  }
0xcd: {  	[sflag:s15] =	ssyncset.done $0x0  }
0xce: {  	s0 =	simm.s32 $0x0;
	[sflag:s15] =	ssyncadd.s32 $0xFFFFFFD0  }
0xcf: {  	v38 =	vmov s0;
	[bflag:$0x0] =	sbarrier.arrive $0xFFFF  }
0xd0: {  	[tilespmem:s20], [sflag:$0x2] =	stream.linear.gather [spmem:s5], $0x180, $0x38;
	[tilespmem:$0x3EB0] =	vst v63  }
0xd1: {  	_ =	swait.ge [sflag:s15], $0x180  }
0xd2: {  	[sflag:s15] =	ssyncset.done $0x0  }
0xd3: {  	[sflag:s15] =	ssyncadd.s32 $0xFFFFFE80  }
0xd4: {  	v36 =	vld.idx.msk [tilespmem:v38+s20+$0x0], $0xffff  }
0xd5: {  	s31 =	simm.s32 $0x1  }
0xd6: {  	v37 =	vmov s31;
	v33 =	vimm.s32 $0x0  }
0xd7: {  	v34 =	vimm.s32 $0x0;
	vm2 =	vlt.u32 v38, v0;
	vm3 =	vlt.u32 v38, v1  }
0xd8: {  	s1 =	simm.s32 $0x2;
	vm2 =	vmmov vm2;
	vm3 =	vmmov vm3;
	v35 =	vimm.s32 $0x0  }
.LBB2_4:
0xd9: {  	p1 =	sne.s32 s1, $0x17F;
	vm4 =	veq.f32 v36, v31;
	vm5 =	veq.f32 v36, v30;
	vm6 =	veq.f32 v36, v32  }
0xda: {  	vm7 =	vlt.u32 v38, v2;
	vm8 =	vlt.f32 v36, v32;
	v38 =	vmovc v37;
	vm9 =	vmneg vm6  }
0xdb: {  	vm10 =	vmneg vm4;
	vm6 =	vmand vm6, vm7;
	vm8 =	vmand vm9, vm8  }
0xdc: {  	vm7 =	vlt.f32 v36, v31;
	vm9 =	vmneg vm5;
	vm6 =	vmor vm6, vm8  }
0xdd: {  	vm11 =	vlt.f32 v36, v30;
	vm8 =	vlt.u32 v38, v0;
	v36 =	vld.idx.msk [tilespmem:v37+s20+$0x0], $0xffff;
	v37 =	vsel vm6, $0x1, v8  }
.Ltmp3:
0xde: {  	vm7 =	vmand vm10, vm7;
	vm6 =	vlt.u32 v38, v1;
	v35 =	vadd.s32 v37, v35;
	(pc) =	sbr.rel @p1 .LBB2_4-.Ltmp3, $4  }
0xdf: {  	vm2 =	vmand vm4, vm2;
	vm3 =	vmand vm5, vm3;
	vm4 =	vmand vm9, vm11  }
0xe0: {  	vm5 =	vmor vm2, vm7;
	vm3 =	vmor vm3, vm4;
	vm2 =	vmmov vm8  }
0xe1: {  	v39 =	vsel vm5, $0x1, v8;
	v40 =	vsel vm3, $0x1, v8;
	vm3 =	vmmov vm6  }
0xe2: {  	v37 =	vmov s1;
	s1 =	sadd.s32 $0x1, s1;
	v33 =	vadd.s32 v39, v33;
	v34 =	vadd.s32 v40, v34  }
0xe3: {  	vm4 =	veq.f32 v36, v31;
	vm5 =	veq.f32 v36, v30;
	vm6 =	veq.f32 v36, v32  }
0xe4: {  	vm7 =	vlt.u32 v38, v2;
	vm8 =	vlt.f32 v36, v32;
	vm12 =	vlt.f32 v36, v31  }
0xe5: {  	vm14 =	vlt.u32 v37, v0;
	vm11 =	vlt.f32 v36, v30;
	vm15 =	vlt.u32 v37, v1  }
0xe6: {  	vm9 =	vmneg vm6;
	vm10 =	vmneg vm4;
	vm6 =	vmand vm6, vm7  }
0xe7: {  	vm13 =	vmneg vm5;
	vm2 =	vmand vm4, vm2;
	vm3 =	vmand vm5, vm3  }
0xe8: {  	v56 =	vld.idx.msk [tilespmem:v37+s20+$0x0], $0xffff;
	vm4 =	vmmov vm14;
	vm8 =	vmand vm9, vm8;
	vm7 =	vmand vm10, vm12  }
0xe9: {  	vm11 =	vmand vm13, vm11;
	vm6 =	vmor vm6, vm8;
	vm2 =	vmor vm2, vm7  }
0xea: {  	vm3 =	vmor vm3, vm11;
	vm7 =	vlt.u32 v37, v2;
	v57 =	vsel vm6, $0x1, v8  }
0xeb: {  	v58 =	vsel vm2, $0x1, v8;
	v39 =	vsel vm3, $0x1, v8;
	vm2 =	vmmov vm15  }
0xec: {  	v35 =	vadd.s32 v57, v35;
	v33 =	vadd.s32 v58, v33;
	v34 =	vadd.s32 v39, v34  }
0xed: {  	vm3 =	veq.f32 v56, v31;
	vm5 =	veq.f32 v56, v30;
	vm6 =	veq.f32 v56, v32  }
0xee: {  	vm12 =	vlt.f32 v56, v32;
	vm15 =	vlt.f32 v56, v31;
	vm13 =	vmneg vm6  }
0xef: {  	vm14 =	vmneg vm3;
	vm3 =	vmand vm3, vm4;
	vm8 =	vmand vm13, vm12  }
0xf0: {  	vm12 =	vmneg vm5;
	vm9 =	vmand vm14, vm15;
	vm13 =	vlt.f32 v56, v30  }
0xf1: {  	vm2 =	vmand vm5, vm2;
	vm14 =	vmand vm12, vm13;
	vm3 =	vmor vm3, vm9  }
0xf2: {  	vm15 =	vmand vm6, vm7;
	vm2 =	vmor vm2, vm14;
	v30 =	vsel vm3, $0x1, v8  }
0xf3: {  	vm3 =	vmor vm15, vm8;
	v31 =	vsel vm2, $0x1, v8;
	v32 =	vadd.s32 v30, v33  }
0xf4: {  	v30 =	vsel vm3, $0x1, v8;
	v31 =	vadd.s32 v31, v34;
	vm2 =	vgt.s32 v32, $0xBF  }
0xf5: {  	v30 =	vadd.s32 v30, v35;
	v59 =	vsel vm2, $0x3F800000, v17;
	vm2 =	vgt.s32 v31, $0xBF  }
0xf6: {  	s29 =	simm.s32 $0x0;
	[tilespmem:$0x3400] =	vst v59;
	v60 =	vsel vm2, $0x3F800000, v17;
	vm2 =	vgt.s32 v30, $0xBF  }
0xf7: {  	s0 =	sand.u32 $0x3800, s29;
	s1 =	sand.u32 $0x380, s29;
	[tilespmem:$0x3410] =	vst v60;
	v61 =	vsel vm2, $0x3F800000, v17  }
0xf8: {  	s28 =	sor.u32 s1, s0;
	[tilespmem:$0x3420] =	vst v61  }
0xf9: {  	v62 =	vld [tilespmem:s28+$0x50]  }
0xfa: {  	v63 =	vmov s29;
	v42 =	vld [tilespmem:s28+$0x60]  }
0xfb: {  	v44 =	vld [tilespmem:s28+$0x70]  }
0xfc: {  	v46 =	vld [tilespmem:s28+$0x40]  }
0xfd: {  	v38 =	vld [tilespmem:s28+$0x420]  }
0xfe: {  	v34 =	vld [tilespmem:s28+$0x10]  }
0xff: {  	v33 =	vld.idx.msk [tilespmem:v63+s21+$0x0], $0xffff  }
0x100: {  	v35 =	vld [tilespmem:s28+$0x400]  }
0x101: {  	v40 =	vld [tilespmem:s28+$0x0]  }
0x102: {  	v41 =	vld [tilespmem:s28+$0x430]  }
0x103: {  	v39 =	vld [tilespmem:s28+$0x20]  }
0x104: {  	v36 =	vld [tilespmem:s28+$0x30];
	v45 =	vmul.f32 v62, v33;
	v43 =	vmul.f32 v42, v33  }
0x105: {  	s30 =	simm.s32 $0x1;
	s31 =	simm.s32 $0x0;
	s1 =	simm.s32 $0x2;
	v37 =	vld [tilespmem:s28+$0x410];
	v42 =	vmul.f32 v46, v33;
	v44 =	vmul.f32 v44, v33  }
.LBB2_6:
0x106: {  	s29 =	sadd.s32 $0x80, s29  }
0x107: {  	v46 =	vmov s30;
	v40 =	vmul.f32 v40, v33;
	[tilespmem:s28+$0x50] =	vst v45;
	v38 =	vmul.f32 v38, v33;
	s31 =	sadd.s32 $0x100, s31;
	s30 =	smov.u32 s1;
	s0 =	sadd.s32 $0x1, s1  }
0x108: {  	p1 =	sne.s32 s1, $0x2F;
	v41 =	vmul.f32 v41, v33;
	v39 =	vmul.f32 v39, v33;
	[tilespmem:s28+$0x60] =	vst v43  }
0x109: {  	v34 =	vmul.f32 v34, v33;
	v36 =	vmul.f32 v36, v33;
	[tilespmem:s28+$0x70] =	vst v44  }
0x10a: {  	v35 =	vmul.f32 v35, v33;
	[tilespmem:s28+$0x40] =	vst v42;
	v37 =	vmul.f32 v37, v33  }
0x10b: {  	s1 =	sand.u32 $0x3800, s31;
	s23 =	sand.u32 $0x380, s29;
	[tilespmem:s28+$0x430] =	vst v41  }
0x10c: {  	s1 =	sor.u32 s23, s1;
	[tilespmem:s28+$0x420] =	vst v38;
	v38 =	vld [tilespmem:s28+$0x434]  }
0x10d: {  	[tilespmem:s28+$0x20] =	vst v39  }
0x10e: {  	v42 =	vld [tilespmem:s1+$0x50];
	[tilespmem:s28+$0x400] =	vst v35  }
0x10f: {  	v43 =	vld [tilespmem:s1+$0x60];
	[tilespmem:s28+$0x0] =	vst v40  }
0x110: {  	v44 =	vld [tilespmem:s1+$0x70];
	[tilespmem:s28+$0x10] =	vst v34  }
0x111: {  	v47 =	vld [tilespmem:s1+$0x40];
	[tilespmem:s28+$0x30] =	vst v36;
	v33 =	vmul.f32 v38, v33  }
0x112: {  	v38 =	vld [tilespmem:s1+$0x420];
	[tilespmem:s28+$0x410] =	vst v37  }
0x113: {  	v34 =	vld [tilespmem:s1+$0x10];
	[tilespmem:s28+$0x434] =	vst v33;
	s28 =	smov.u32 s1  }
0x114: {  	v33 =	vld.idx.msk [tilespmem:v46+s21+$0x0], $0xffff  }
0x115: {  	v35 =	vld [tilespmem:s28+$0x400]  }
0x116: {  	v40 =	vld [tilespmem:s28+$0x0]  }
.Ltmp4:
0x117: {  	v41 =	vld [tilespmem:s28+$0x430];
	(pc) =	sbr.rel @p1 .LBB2_6-.Ltmp4, $4  }
0x118: {  	v39 =	vld [tilespmem:s28+$0x20]  }
0x119: {  	v36 =	vld [tilespmem:s28+$0x30]  }
0x11a: {  	v45 =	vmul.f32 v42, v33;
	v43 =	vmul.f32 v43, v33;
	v37 =	vld [tilespmem:s28+$0x410]  }
0x11b: {  	s1 =	smov.u32 s0;
	v42 =	vmul.f32 v47, v33;
	v44 =	vmul.f32 v44, v33  }
0x11c: {  	[tilespmem:s28+$0x50] =	vst v45  }
0x11d: {  	[tilespmem:s28+$0x60] =	vst v43  }
0x11e: {  	v41 =	vmul.f32 v41, v33;
	[tilespmem:s28+$0x70] =	vst v44  }
0x11f: {  	v38 =	vmul.f32 v38, v33;
	[tilespmem:s28+$0x40] =	vst v42  }
0x120: {  	v62 =	vmul.f32 v40, v33;
	[tilespmem:s28+$0x430] =	vst v41  }
0x121: {  	s0 =	sadd.s32 $0x80, s29;
	s1 =	sadd.s32 $0x100, s31;
	v34 =	vmul.f32 v34, v33;
	[tilespmem:s28+$0x420] =	vst v38;
	v63 =	vld [tilespmem:s28+$0x434]  }
0x122: {  	v39 =	vmul.f32 v39, v33;
	s1 =	sand.u32 $0x3800, s1;
	s0 =	sand.u32 $0x380, s0;
	[tilespmem:s28+$0x0] =	vst v62  }
0x123: {  	v35 =	vmul.f32 v35, v33;
	s0 =	sor.u32 s0, s1;
	[tilespmem:s28+$0x10] =	vst v34  }
0x124: {  	v44 =	vmov s30;
	v36 =	vmul.f32 v36, v33;
	[tilespmem:s28+$0x20] =	vst v39;
	v45 =	vld [tilespmem:s0+$0x60]  }
0x125: {  	[tilespmem:s28+$0x400] =	vst v35;
	v46 =	vmul.f32 v37, v33;
	v39 =	vld [tilespmem:s0+$0x50]  }
0x126: {  	v47 =	vld [tilespmem:s0+$0x40];
	[tilespmem:s28+$0x30] =	vst v36;
	v48 =	vmul.f32 v63, v33  }
0x127: {  	v49 =	vld [tilespmem:s0+$0x420];
	[tilespmem:s28+$0x410] =	vst v46  }
0x128: {  	[tilespmem:s28+$0x434] =	vst v48  }
0x129: {  	v33 =	vld.idx.msk [tilespmem:v44+s21+$0x0], $0xffff;
	_ =	sdelay $0x1  }
0x12a: {  	v50 =	vld [tilespmem:s0+$0x70];
	_ =	sdelay $0x1  }
0x12b: {  	v51 =	vld [tilespmem:s0+$0x430]  }
0x12c: {  	v38 =	vmul.f32 v39, v33  }
0x12d: {  	v52 =	vld [tilespmem:s0+$0x20];
	v54 =	vmul.f32 v45, v33  }
0x12e: {  	v55 =	vld [tilespmem:s0+$0x400];
	v34 =	vmul.f32 v50, v33;
	[tilespmem:s0+$0x50] =	vst v38  }
0x12f: {  	v57 =	vld [tilespmem:s0+$0x10];
	v35 =	vmul.f32 v47, v33;
	[tilespmem:s0+$0x60] =	vst v54  }
0x130: {  	v56 =	vld [tilespmem:s0+$0x0];
	v37 =	vmul.f32 v51, v33;
	[tilespmem:s0+$0x70] =	vst v34  }
0x131: {  	v58 =	vld [tilespmem:s0+$0x30];
	v36 =	vmul.f32 v49, v33;
	[tilespmem:s0+$0x40] =	vst v35  }
0x132: {  	v59 =	vld [tilespmem:s0+$0x410];
	v39 =	vmul.f32 v52, v33;
	[tilespmem:s0+$0x430] =	vst v37  }
0x133: {  	v60 =	vmul.f32 v55, v33;
	[tilespmem:s0+$0x420] =	vst v36;
	v61 =	vld [tilespmem:s0+$0x434]  }
0x134: {  	v62 =	vmul.f32 v57, v33;
	[tilespmem:s0+$0x20] =	vst v39  }
0x135: {  	v38 =	vmul.f32 v56, v33;
	[tilespmem:s0+$0x400] =	vst v60  }
0x136: {  	v34 =	vmul.f32 v58, v33;
	[tilespmem:s0+$0x10] =	vst v62  }
0x137: {  	v35 =	vmul.f32 v59, v33;
	[tilespmem:s0+$0x0] =	vst v38  }
0x138: {  	[tilespmem:s0+$0x30] =	vst v34;
	v33 =	vmul.f32 v61, v33  }
0x139: {  	[tilespmem:s0+$0x410] =	vst v35  }
0x13a: {  	[tilespmem:s0+$0x434] =	vst v33  }
0x13b: {  	[hbm4b:s8+s2] =	stream.linear.scatter [tilespmem:s2], [sflag:$0x1], $0x3000, $0x38;
	[tilespmem:$0x3EB0] =	vst v63  }
0x13c: {  	[tilespmem:$0x3480] =	vst v8  }
0x13d: {  	[tilespmem:$0x3490] =	vst v8  }
0x13e: {  	[tilespmem:$0x34A0] =	vst v8  }
0x13f: {  	[tilespmem:$0x34B0] =	vst v8  }
0x140: {  	[tilespmem:$0x34C0] =	vst v8  }
0x141: {  	[tilespmem:$0x34D0] =	vst v8  }
0x142: {  	[tilespmem:$0x34E0] =	vst v8  }
0x143: {  	[tilespmem:$0x34F0] =	vst v8  }
0x144: {  	[tilespmem:$0x3500] =	vst v8  }
0x145: {  	[tilespmem:$0x3510] =	vst v8  }
0x146: {  	vm2 =	vlt.s32 v32, $0xF0;
	vm3 =	vlt.s32 v32, $0xC0;
	[tilespmem:$0x3520] =	vst v8  }
0x147: {  	vm4 =	vlt.s32 v31, $0xC0;
	v63 =	vnsel vm2, $0xF0, v32;
	vm2 =	vlt.s32 v31, $0xF0;
	[tilespmem:$0x3530] =	vst v8  }
0x148: {  	vm5 =	vlt.s32 v30, $0xC0;
	v31 =	vnsel vm2, $0xF0, v31;
	vm2 =	vlt.s32 v30, $0xF0;
	[tilespmem:$0x3540] =	vst v8  }
0x149: {  	v30 =	vnsel vm2, $0xF0, v30;
	[tilespmem:$0x3550] =	vst v8  }
0x14a: {  	[tilespmem:$0x3560] =	vst v8  }
0x14b: {  	[tilespmem:$0x3570] =	vst v8  }
0x14c: {  	[tilespmem:v63+s22+$0x0] =	vst.idx.msk vm3, v4  }
0x14d: {  	[tilespmem:v31+s22+$0x0] =	vst.idx.msk vm4, v5  }
0x14e: {  	[tilespmem:v30+s22+$0x0] =	vst.idx.msk vm5, v6  }
0x14f: {  	[spmem:s10] =	stream.linear.scatter [tilespmem:s22], [sflag:$0x2], $0x100, $0x38;
	[tilespmem:$0x3EB0] =	vst v63  }
.Ltmp5:
0x150: {  	_ =	swait.ge [sflag:s15], $0x100;
	(pc) =	sbr.rel @p0 .LBB2_9-.Ltmp5, $3  }
0x151: {  	[sflag:s15] =	ssyncset.done $0x0  }
0x152: {  	[sflag:s15] =	ssyncadd.s32 $0xFFFFFF00  }
0x153: {  	[bflag:$0x0] =	sbarrier.arrive $0xFFFF;
	_ =	sdelay $0x1  }
0x154: {  	s0 =	simm.s32 $0x3580  }
0x155: {  	[tilespmem:s0], [sflag:$0x2] =	stream.linear.gather [spmem:s9], $0x800, $0x38;
	[tilespmem:$0x3EB0] =	vst v63  }
0x156: {  	_ =	swait.ge [sflag:s15], $0x800  }
0x157: {  	[sflag:s15] =	ssyncset.done $0x0  }
0x158: {  	[sflag:s15] =	ssyncadd.s32 $0xFFFFF800  }
0x159: {  	v30 =	vld [tilespmem:$0x3580]  }
0x15a: {  	v31 =	vld [tilespmem:$0x3680]  }
0x15b: {  	v32 =	vld [tilespmem:$0x3780]  }
0x15c: {  	v33 =	vld [tilespmem:$0x3880]  }
0x15d: {  	v34 =	vld [tilespmem:$0x3980]  }
0x15e: {  	v35 =	vld [tilespmem:$0x3A80]  }
0x15f: {  	v36 =	vld [tilespmem:$0x3B80]  }
0x160: {  	v37 =	vld [tilespmem:$0x3C80]  }
0x161: {  	v38 =	vld [tilespmem:$0x3590]  }
0x162: {  	v39 =	vld [tilespmem:$0x3690]  }
0x163: {  	v40 =	vld [tilespmem:$0x3790]  }
0x164: {  	v41 =	vld [tilespmem:$0x3890]  }
0x165: {  	v42 =	vld [tilespmem:$0x3990]  }
0x166: {  	v43 =	vld [tilespmem:$0x3A90]  }
0x167: {  	v44 =	vld [tilespmem:$0x3B90]  }
0x168: {  	v45 =	vld [tilespmem:$0x3C90]  }
0x169: {  	v46 =	vld [tilespmem:$0x35A0]  }
0x16a: {  	v47 =	vld [tilespmem:$0x36A0]  }
0x16b: {  	v48 =	vld [tilespmem:$0x37A0]  }
0x16c: {  	v49 =	vld [tilespmem:$0x38A0]  }
0x16d: {  	v50 =	vld [tilespmem:$0x39A0]  }
0x16e: {  	v51 =	vld [tilespmem:$0x3AA0]  }
0x16f: {  	v52 =	vld [tilespmem:$0x3BA0]  }
0x170: {  	v9 =	vld [tilespmem:$0x3CA0]  }
0x171: {  	v54 =	vld [tilespmem:$0x35B0]  }
0x172: {  	v55 =	vld [tilespmem:$0x36B0]  }
0x173: {  	v56 =	vld [tilespmem:$0x37B0]  }
0x174: {  	v57 =	vld [tilespmem:$0x38B0]  }
0x175: {  	v58 =	vld [tilespmem:$0x39B0]  }
0x176: {  	v59 =	vld [tilespmem:$0x3AB0]  }
0x177: {  	v60 =	vld [tilespmem:$0x3BB0]  }
0x178: {  	v61 =	vld [tilespmem:$0x3CB0]  }
0x179: {  	v62 =	vld [tilespmem:$0x35C0]  }
0x17a: {  	v63 =	vld [tilespmem:$0x36C0]  }
0x17b: {  	v4 =	vld [tilespmem:$0x37C0]  }
0x17c: {  	v5 =	vld [tilespmem:$0x38C0]  }
0x17d: {  	v7 =	vld [tilespmem:$0x39C0]  }
0x17e: {  	v13 =	vld [tilespmem:$0x3AC0]  }
0x17f: {  	v11 =	vld [tilespmem:$0x35D0]  }
0x180: {  	v12 =	vld [tilespmem:$0x36D0]  }
0x181: {  	v14 =	vld [tilespmem:$0x37D0]  }
0x182: {  	v15 =	vld [tilespmem:$0x38D0]  }
0x183: {  	v18 =	vld [tilespmem:$0x39D0]  }
0x184: {  	v17 =	vld [tilespmem:$0x3CD0]  }
0x185: {  	v20 =	vld [tilespmem:$0x35E0]  }
0x186: {  	v21 =	vld [tilespmem:$0x36E0]  }
0x187: {  	v22 =	vld [tilespmem:$0x37E0]  }
0x188: {  	v23 =	vld [tilespmem:$0x38E0]  }
0x189: {  	v27 =	vld [tilespmem:$0x39E0]  }
0x18a: {  	v29 =	vld [tilespmem:$0x35F0]  }
0x18b: {  	v3 =	vld [tilespmem:$0x36F0]  }
0x18c: {  	v6 =	vld [tilespmem:$0x37F0]  }
0x18d: {  	v16 =	vld [tilespmem:$0x38F0]  }
0x18e: {  	v19 =	vld [tilespmem:$0x39F0]  }
0x18f: {  	v53 =	vld [tilespmem:$0x3AF0]  }
0x190: {  	v10 =	vld [tilespmem:$0x3600]  }
0x191: {  	[tilespmem:$0x1FE30] =	vst v9;
	v9 =	vld [tilespmem:$0x3BC0]  }
0x192: {  	[tilespmem:$0x1FE80] =	vst v17;
	v17 =	vld [tilespmem:$0x3AE0]  }
0x193: {  	v30 =	vadd.s32 v31, v30;
	v31 =	vld [tilespmem:$0x3800]  }
0x194: {  	v3 =	vadd.s32 v3, v29;
	v30 =	vadd.s32 v32, v30;
	v32 =	vld [tilespmem:$0x3900]  }
0x195: {  	v3 =	vadd.s32 v6, v3;
	v6 =	vld [tilespmem:$0x3A20]  }
0x196: {  	v30 =	vadd.s32 v33, v30;
	v33 =	vld [tilespmem:$0x3A00]  }
0x197: {  	v3 =	vadd.s32 v16, v3;
	v16 =	vld [tilespmem:$0x3B20]  }
0x198: {  	v30 =	vadd.s32 v34, v30;
	v34 =	vadd.s32 v39, v38;
	v38 =	vld [tilespmem:$0x3B00]  }
0x199: {  	v39 =	vld [tilespmem:$0x3610]  }
0x19a: {  	v3 =	vadd.s32 v19, v3;
	v19 =	vld [tilespmem:$0x3D20]  }
0x19b: {  	[tilespmem:$0x1FE40] =	vst v9;
	v9 =	vld [tilespmem:$0x3CC0]  }
0x19c: {  	v30 =	vadd.s32 v35, v30;
	v35 =	vld [tilespmem:$0x3C00]  }
0x19d: {  	v3 =	vadd.s32 v53, v3;
	v53 =	vld [tilespmem:$0x1FF80]  }
0x19e: {  	v47 =	vadd.s32 v47, v46;
	v30 =	vadd.s32 v36, v30;
	v36 =	vld [tilespmem:$0x3D00]  }
0x19f: {  	v30 =	vadd.s32 v37, v30;
	v37 =	vadd.s32 v48, v47;
	v48 =	vadd.s32 v55, v54;
	v54 =	vld [tilespmem:$0x3710]  }
0x1a0: {  	[tilespmem:$0x1FE50] =	vst v9;
	v9 =	vld [tilespmem:$0x3AD0]  }
0x1a1: {  	v55 =	vld [tilespmem:$0x3810]  }
0x1a2: {  	v34 =	vadd.s32 v40, v34;
	v40 =	vadd.s32 v56, v48;
	v56 =	vld [tilespmem:$0x3910]  }
0x1a3: {  	v40 =	vadd.s32 v57, v40;
	v57 =	vadd.s32 v63, v62;
	v62 =	vld [tilespmem:$0x3B10]  }
0x1a4: {  	v63 =	vld [tilespmem:$0x1FE30]  }
0x1a5: {  	[tilespmem:$0x1FE60] =	vst v9;
	v9 =	vld [tilespmem:$0x3BD0]  }
0x1a6: {  	v40 =	vadd.s32 v58, v40;
	v58 =	vld [tilespmem:$0x3A10];
	v4 =	vadd.s32 v4, v57  }
0x1a7: {  	v4 =	vadd.s32 v5, v4;
	v5 =	vld [tilespmem:$0x3C10]  }
0x1a8: {  	v4 =	vadd.s32 v7, v4;
	v7 =	vadd.s32 v12, v11;
	v11 =	vld [tilespmem:$0x3D10]  }
0x1a9: {  	v12 =	vadd.s32 v21, v20;
	v4 =	vadd.s32 v13, v4;
	v7 =	vadd.s32 v14, v7;
	v13 =	vld [tilespmem:$0x3620]  }
0x1aa: {  	v12 =	vadd.s32 v22, v12;
	v7 =	vadd.s32 v15, v7;
	[tilespmem:$0x1FE70] =	vst v9;
	v9 =	vld [tilespmem:$0x3BE0]  }
0x1ab: {  	v12 =	vadd.s32 v23, v12;
	v7 =	vadd.s32 v18, v7;
	v18 =	vld [tilespmem:$0x1FE60]  }
0x1ac: {  	v34 =	vadd.s32 v41, v34;
	v12 =	vadd.s32 v27, v12;
	v20 =	vld [tilespmem:$0x1FE70]  }
0x1ad: {  	v34 =	vadd.s32 v42, v34;
	v12 =	vadd.s32 v17, v12;
	v17 =	vld [tilespmem:$0x1FE80]  }
0x1ae: {  	v34 =	vadd.s32 v43, v34;
	v14 =	vld [tilespmem:$0x1FE40]  }
0x1af: {  	v37 =	vadd.s32 v49, v37;
	v34 =	vadd.s32 v44, v34;
	[tilespmem:$0x1FE90] =	vst v9;
	v9 =	vld [tilespmem:$0x3CE0]  }
0x1b0: {  	v37 =	vadd.s32 v50, v37;
	v34 =	vadd.s32 v45, v34;
	v15 =	vld [tilespmem:$0x1FE50];
	v7 =	vadd.s32 v18, v7  }
0x1b1: {  	v37 =	vadd.s32 v51, v37;
	v22 =	vadd.s32 $0xFFFFFFFF, v30;
	v23 =	vld [tilespmem:$0x3830];
	v7 =	vadd.s32 v20, v7  }
0x1b2: {  	v37 =	vadd.s32 v52, v37;
	[tilespmem:$0x3480] =	vst v22;
	v22 =	vadd.s32 $0xFFFFFFFF, v34;
	v7 =	vadd.s32 v17, v7;
	v17 =	vld [tilespmem:$0x1FE90]  }
0x1b3: {  	v37 =	vadd.s32 v63, v37;
	v27 =	vld [tilespmem:$0x3930];
	[tilespmem:$0x3490] =	vst v22  }
0x1b4: {  	v22 =	vadd.s32 $0xFFFFFFFF, v37;
	[tilespmem:$0x1FEA0] =	vst v9;
	v9 =	vld [tilespmem:$0x3BF0]  }
0x1b5: {  	[tilespmem:$0x34A0] =	vst v22;
	v22 =	vld [tilespmem:$0x1FFD0]  }
0x1b6: {  	v4 =	vadd.s32 v14, v4;
	v14 =	vld [tilespmem:$0x3720]  }
0x1b7: {  	v12 =	vadd.s32 v17, v12;
	v17 =	vld [tilespmem:$0x1FEA0]  }
0x1b8: {  	v4 =	vadd.s32 v15, v4;
	v15 =	vld [tilespmem:$0x3820]  }
0x1b9: {  	[tilespmem:$0x1FEB0] =	vst v9;
	v9 =	vld [tilespmem:$0x3CF0]  }
0x1ba: {  	v18 =	vld [tilespmem:$0x3920]  }
0x1bb: {  	v13 =	vadd.s32 v14, v13;
	v14 =	vld [tilespmem:$0x3B30]  }
0x1bc: {  	v7 =	vadd.s32 $0xFFFFFFFF, v7;
	v20 =	vld [tilespmem:$0x1FEB0];
	v12 =	vadd.s32 v17, v12  }
0x1bd: {  	[tilespmem:$0x34D0] =	vst v7;
	v17 =	vadd.s32 v54, v39;
	v7 =	vadd.s32 $0xFFFFFFFF, v12;
	v12 =	vld [tilespmem:$0x1FF40]  }
0x1be: {  	v17 =	vadd.s32 v55, v17;
	[tilespmem:$0x1FEC0] =	vst v9;
	v9 =	vld [tilespmem:$0x3700]  }
0x1bf: {  	v17 =	vadd.s32 v56, v17;
	v21 =	vld [tilespmem:$0x1FEC0]  }
0x1c0: {  	v40 =	vadd.s32 v59, v40;
	[tilespmem:$0x34E0] =	vst v7;
	v7 =	vld [tilespmem:$0x1FF20];
	v17 =	vadd.s32 v58, v17  }
0x1c1: {  	v40 =	vadd.s32 v60, v40;
	v3 =	vadd.s32 v20, v3;
	v20 =	vld [tilespmem:$0x3630];
	v17 =	vadd.s32 v62, v17  }
0x1c2: {  	v40 =	vadd.s32 v61, v40;
	v5 =	vadd.s32 v5, v17;
	v17 =	vld [tilespmem:$0x3A30]  }
0x1c3: {  	v5 =	vadd.s32 v11, v5;
	v11 =	vadd.s32 $0xFFFFFFFF, v40;
	v9 =	vadd.s32 v9, v10;
	v10 =	vld [tilespmem:$0x3C20]  }
0x1c4: {  	v4 =	vadd.s32 $0xFFFFFFFF, v4;
	[tilespmem:$0x34B0] =	vst v11;
	v11 =	vadd.s32 v15, v13;
	v3 =	vadd.s32 v21, v3;
	v21 =	vld [tilespmem:$0x3730]  }
0x1c5: {  	[tilespmem:$0x34C0] =	vst v4;
	v15 =	vld [tilespmem:$0x3C30];
	v4 =	vadd.s32 v18, v11  }
0x1c6: {  	v18 =	vld [tilespmem:$0x1FF90];
	v4 =	vadd.s32 v6, v4  }
0x1c7: {  	v4 =	vadd.s32 v16, v4;
	v16 =	vld [tilespmem:$0x1FF70];
	v3 =	vadd.s32 $0xFFFFFFFF, v3  }
0x1c8: {  	v9 =	vadd.s32 v31, v9;
	[tilespmem:$0x34F0] =	vst v3;
	v3 =	vadd.s32 v10, v4;
	v10 =	vld [tilespmem:$0x1FF30]  }
0x1c9: {  	v9 =	vadd.s32 v32, v9;
	v13 =	vadd.s32 v21, v20;
	v21 =	vld [tilespmem:$0x1FFC0]  }
0x1ca: {  	v9 =	vadd.s32 v33, v9;
	v20 =	vld [tilespmem:$0x1FFB0]  }
0x1cb: {  	v9 =	vadd.s32 v38, v9;
	v11 =	vadd.s32 v23, v13;
	v13 =	vld [tilespmem:$0x3D30]  }
0x1cc: {  	v9 =	vadd.s32 v35, v9;
	v3 =	vadd.s32 v19, v3;
	v19 =	vld [tilespmem:$0x1FFA0];
	v6 =	vadd.s32 v27, v11  }
0x1cd: {  	v9 =	vadd.s32 v36, v9;
	v23 =	vld [tilespmem:$0x1FFE0];
	v6 =	vadd.s32 v17, v6  }
0x1ce: {  	v4 =	vadd.s32 $0xFFFFFFFF, v9;
	v27 =	vld [tilespmem:$0x1FFF0];
	v6 =	vadd.s32 v14, v6  }
0x1cf: {  	[tilespmem:$0x3500] =	vst v4;
	v4 =	vadd.s32 $0xFFFFFFFF, v5;
	v14 =	vld [tilespmem:$0x1FF50];
	v5 =	vadd.s32 v15, v6  }
0x1d0: {  	v3 =	vadd.s32 $0xFFFFFFFF, v3;
	[tilespmem:$0x3510] =	vst v4;
	v15 =	vld [tilespmem:$0x1FF60];
	v4 =	vadd.s32 v13, v5  }
0x1d1: {  	[tilespmem:$0x3520] =	vst v3;
	v6 =	vld [tilespmem:$0x1FF10];
	v3 =	vadd.s32 $0xFFFFFFFF, v4  }
.Ltmp6:
0x1d2: {  	v5 =	vld [tilespmem:$0x1FF00];
	[tilespmem:$0x3530] =	vst v3;
	(pc) =	sbr.rel .LBB2_9-.Ltmp6, $4  }
0x1d3: {  	v4 =	vld [tilespmem:$0x1FEF0];
	[hbm4b:s13+s24] =	stream.strided.scatter [tilespmem:s22], [sflag:$0x2], $0x100, s25, s24, $0x38  }
0x1d4: {  	v3 =	vld [tilespmem:$0x1FEE0];
	_ =	swait.ge [sflag:s15], $0x100  }
0x1d5: {  	[sflag:s15] =	ssyncset.done $0x0  }
0x1d6: {  	v11 =	vimm.f32 $-3.000000120e-01;
	v17 =	vimm.f32 $0.0e+00;
	v13 =	vimm.f32 $6.999999880e-01;
	[sflag:s15] =	ssyncadd.s32 $0xFFFFFF00  }
.LBB2_10:
0x1d7: {  	_ =	sfence.sel $0x180000  }
0x1d8: {  	[bflag:$0x0] =	sbarrier.arrive $0xFFFF  }
0x1d9: {  	_ =	strace $0x90000047  }
0x1da: {  	s0 =	stileid.u32;
	[bflag:$0x2] =	sbarrier.arrive $0xFFFF  }
0x1db: {  	p0 =	sne.s32 s0, $0x0;
	s0 =	rddreg [dreg:$0x5]  }
0x1dc: {  	s0 =	sadd.s32 @!p0 $0x100000, s0  }
0x1dd: {  	[sflag:s0] =	ssyncadd.tile.s32 @!p0 $0x1;
	_ =	shalt  }
.Lfunc_end2:
_tile_overlayer_lowered:
.L_overlay_start_2:
0x1de: {  	(tag) =	ssettag $0x2  }
0x1df: {  	s0 =	rddreg [dreg:$0x0];
	s2 =	stileid.u32  }
0x1e0: {  	s1 =	rddreg [dreg:$0x1];
	p0 =	sne.s32 s2, $0x0  }
0x1e1: {  	s3 =	rddreg [dreg:$0x2];
	[bflag:$0x3] =	sbarrier.arrive $0xFFFF;
	s2 =	simm.s32 @!p0 $0x1C02  }
0x1e2: {  	[timem:s3], [sflag:s2] =	dma.local @!p0 [hbm:s0], s1  }
0x1e3: {  	s0 =	simm.s32 @!p0 $0x2  }
0x1e4: {  	_ =	swait.ge @!p0 [sflag:s0], s1  }
0x1e5: {  	s1 =	ssub.s32 @!p0 $0x0, s1;
	[sflag:s0] =	ssyncset.done @!p0 $0x0  }
0x1e6: {  	[sflag:s0] =	ssyncadd.s32 @!p0 s1  }
0x1e7: {  	[bflag:$0x3] =	sbarrier.arrive $0xFFFF  }
0x1e8: {  	_ =	shalt  }

</sc_bundles>
